<compile_context>
chip_gen: v7x
topology: tpu7x:2x2x1
jax: 0.10.2.dev20260603
libtpu: 0.0.44.dev20260713+nightly
codegen_flags: <defaults>
</compile_context>

<pallas_src>
import jax
import jax.numpy as jnp
from jax import lax
from jax.experimental import pallas as pl
from jax.experimental.pallas import tpu as pltpu
from jax.experimental.pallas import tpu_sc as plsc

B, C = 2, 64
HT_BINS = 184 * 60
IM_BINS = 128 * 128
N_VOTES = 262144
P = B * C

NC, NS, L = 2, 16, 16
NW = NC * NS
CPW = P // NW

CHUNK = 4096
NCHUNK = N_VOTES // CHUNK
MASK14 = (1 << 14) - 1


def _ht2im_body(tbl_hbm, pk_hbm, out_hbm,
                tv0, tv1, tv2, tv3, av0, av1, av2, av3,
                pk0, w0, pk1, w1, sem0, sem1):
    wid = lax.axis_index("s") * NC + lax.axis_index("c")
    tables = (tv0, tv1, tv2, tv3)
    accums = (av0, av1, av2, av3)

    pltpu.async_copy(pk_hbm.at[pl.ds(0, CHUNK)], pk0, sem0)
    pltpu.async_copy(pk_hbm.at[pl.ds(N_VOTES, CHUNK)], w0, sem0)

    for c in range(CPW):
        pltpu.async_copy(
            tbl_hbm.at[pl.ds((wid * CPW + c) * HT_BINS, HT_BINS)],
            tables[c], sem1)

    zv = jnp.zeros((L,), jnp.float32)
    for c in range(CPW):
        @plsc.parallel_loop(0, IM_BINS, step=L, unroll=8)
        def _zero(i, c=c):
            accums[c][pl.ds(i, L)] = zv

    for c in range(CPW):
        pltpu.make_async_copy(
            tbl_hbm.at[pl.ds(0, HT_BINS)], tables[c], sem1).wait()

    def start(g, bufs, sem):
        pkb, wb = bufs
        off = g * CHUNK
        pltpu.async_copy(pk_hbm.at[pl.ds(off, CHUNK)], pkb, sem)
        pltpu.async_copy(pk_hbm.at[pl.ds(N_VOTES + off, CHUNK)], wb, sem)

    def wait(bufs, sem):
        pkb, wb = bufs
        pltpu.make_async_copy(pk_hbm.at[pl.ds(0, CHUNK)], pkb, sem).wait()
        pltpu.make_async_copy(pk_hbm.at[pl.ds(0, CHUNK)], wb, sem).wait()

    def compute(bufs):
        pkb, wb = bufs

        @plsc.parallel_loop(0, CHUNK, step=L, unroll=8)
        def _steps(base):
            pk = pkb[pl.ds(base, L)]
            ht = pk & MASK14
            im = lax.shift_right_logical(pk, 14)
            w = plsc.bitcast(wb[pl.ds(base, L)], jnp.float32)
            for c in range(CPW):
                g = plsc.load_gather(tables[c], [ht])
                plsc.addupdate_scatter(accums[c], [im], g * w)

    bufs0 = (pk0, w0)
    bufs1 = (pk1, w1)


    def outer(gg, _):
        g0 = gg * 2
        start(g0 + 1, bufs1, sem1)
        wait(bufs0, sem0)
        compute(bufs0)

        @pl.when(gg + 1 < NCHUNK // 2)
        def _():
            start(g0 + 2, bufs0, sem0)

        wait(bufs1, sem1)
        compute(bufs1)
        return 0

    lax.fori_loop(0, NCHUNK // 2, outer, 0)

    for c in range(CPW):
        pltpu.sync_copy(accums[c],
                        out_hbm.at[pl.ds((wid * CPW + c) * IM_BINS, IM_BINS)])


@jax.jit
def _ht2im(tbl, packed):
    mesh = plsc.VectorSubcoreMesh(
        core_axis_name="c", subcore_axis_name="s",
        num_cores=NC, num_subcores=NS)
    run = pl.kernel(
        _ht2im_body,
        out_type=jax.ShapeDtypeStruct((P * IM_BINS,), jnp.float32),
        mesh=mesh,
        compiler_params=pltpu.CompilerParams(needs_layout_passes=False),
        scratch_types=(
            [pltpu.VMEM((HT_BINS,), jnp.float32) for _ in range(CPW)]
            + [pltpu.VMEM((IM_BINS,), jnp.float32) for _ in range(CPW)]
            + [
                pltpu.VMEM((CHUNK,), jnp.int32),
                pltpu.VMEM((CHUNK,), jnp.int32),
                pltpu.VMEM((CHUNK,), jnp.int32),
                pltpu.VMEM((CHUNK,), jnp.int32),
                pltpu.SemaphoreType.DMA,
                pltpu.SemaphoreType.DMA,
            ]
        ),
    )
    return run(tbl, packed)


def kernel(input, vote_mapping):
    b, c, hh, hw = input.shape
    tbl = input.reshape(b * c * hh * hw)
    ht = vote_mapping[:, 0].astype(jnp.int32)
    im = vote_mapping[:, 1].astype(jnp.int32)
    htim = (im << 14) | ht
    wbits = lax.bitcast_convert_type(vote_mapping[:, 2], jnp.int32)
    packed = jnp.concatenate([htim, wbits])
    out = _ht2im(tbl, packed)
    return out.reshape(b, c, 128, 128)

# --- scband reference (transcript-rebuilt; emitter-appended) ---
"""Pipeline reference for scband-ht2-im-77163382440036 (READ-ONLY COPY).

The authoritative reference and input builder live on the scoring server;
editing this copy changes nothing except your own understanding.
"""

import jax, jax.numpy as jnp
import numpy as np

B, C = 2, 64
HT_H, HT_W = 184, 60
IM_H, IM_W = 128, 128
N_VOTES = 262144

def setup_inputs(seed: int = 0) -> dict:
    key = jax.random.key(seed)
    k1, k2, k3, k4 = jax.random.split(key, 4)
    inp = jax.random.normal(k1, (B, C, HT_H, HT_W), dtype=jnp.float32)
    ht_idx = jax.random.randint(k2, (N_VOTES,), 0, HT_H * HT_W)
    im_idx = jax.random.randint(k3, (N_VOTES,), 0, IM_H * IM_W)
    w = jax.random.uniform(k4, (N_VOTES,), dtype=jnp.float32)
    # vote_mapping buffer: [N, 3] = (ht_flat_index, im_flat_index, weight), stored as float32 like the torch buffer
    vote_mapping = jnp.stack([ht_idx.astype(jnp.float32), im_idx.astype(jnp.float32), w], axis=1)
    return {"input": inp, "vote_mapping": vote_mapping}

def reference(input, vote_mapping):
    # HT2IM: for each vote v, out_im[:, :, im_idx[v]] += in_ht[:, :, ht_idx[v]] * weight[v]
    b, c, hh, hw = input.shape
    ht_idx = vote_mapping[:, 0].astype(jnp.int32)
    im_idx = vote_mapping[:, 1].astype(jnp.int32)
    w = vote_mapping[:, 2]
    flat_ht = input.reshape(b, c, hh * hw)
    gathered = jnp.take(flat_ht, ht_idx, axis=2) * w[None, None, :]  # [B, C, N]
    out = jnp.zeros((b, c, IM_H * IM_W), dtype=input.dtype).at[:, :, im_idx].add(gathered)
    return out.reshape(b, c, IM_H, IM_W)

if __name__ == "__main__":
    import jax
    _d = setup_inputs()
    print(jax.jit(kernel)(*tuple(_d.values())))

</pallas_src>

<mosaic_0001>
#map = affine_map<(d0, d1) -> (0)>
module attributes {stable_mosaic.version = 14 : i64} {
  func.func @_ht2im_body(%arg0: i32, %arg1: i32, %arg2: memref<1413120xf32, #tpu.memory_space<hbm>>, %arg3: memref<524288xi32, #tpu.memory_space<hbm>>, %arg4: memref<2097152xf32, #tpu.memory_space<hbm>>, %arg5: memref<11040xf32, #tpu.memory_space<vmem>>, %arg6: memref<11040xf32, #tpu.memory_space<vmem>>, %arg7: memref<11040xf32, #tpu.memory_space<vmem>>, %arg8: memref<11040xf32, #tpu.memory_space<vmem>>, %arg9: memref<16384xf32, #tpu.memory_space<vmem>>, %arg10: memref<16384xf32, #tpu.memory_space<vmem>>, %arg11: memref<16384xf32, #tpu.memory_space<vmem>>, %arg12: memref<16384xf32, #tpu.memory_space<vmem>>, %arg13: memref<4096xi32, #tpu.memory_space<vmem>>, %arg14: memref<4096xi32, #tpu.memory_space<vmem>>, %arg15: memref<4096xi32, #tpu.memory_space<vmem>>, %arg16: memref<4096xi32, #tpu.memory_space<vmem>>, %arg17: memref<!tpu.dma_semaphore, #tpu.memory_space<semaphore_mem>>, %arg18: memref<!tpu.dma_semaphore, #tpu.memory_space<semaphore_mem>>) attributes {dimension_semantics = [#tpu.dimension_semantics<core_parallel>, #tpu.dimension_semantics<subcore_parallel>], iteration_bounds = array<i64: 2, 16>, scalar_prefetch = 0 : i64, scratch_operands = 14 : i64, tpu.core_type = #tpu.core_type<sc_vector_subcore>, window_params = [{transform_indices = #map}, {transform_indices = #map}, {transform_indices = #map}]} {
    %mul3A = arith.constant 2 : i32
    %mul3A_0 = arith.muli %arg1, %mul3A : i32
    %add3A = arith.addi %mul3A_0, %arg0 : i32
    %dma_start3A = arith.constant 0 : i32
    %dma_start3A_1 = tpu.memref_slice %arg3[%dma_start3A] : memref<524288xi32, #tpu.memory_space<hbm>> -> memref<4096xi32, #tpu.memory_space<hbm>>
    %dma_start3A_2 = arith.constant 0 : i32
    %dma_start3A_3 = tpu.memref_slice %arg3[%dma_start3A_2] : memref<524288xi32, #tpu.memory_space<hbm>> -> memref<4096xi32, #tpu.memory_space<hbm>>
    tpu.enqueue_dma source(%dma_start3A_3 : memref<4096xi32, #tpu.memory_space<hbm>>) target(%arg13 : memref<4096xi32, #tpu.memory_space<vmem>>) target_semaphore(%arg17 : memref<!tpu.dma_semaphore, #tpu.memory_space<semaphore_mem>>)
    %dma_start3A_4 = arith.constant 262144 : i32
    %dma_start3A_5 = tpu.memref_slice %arg3[%dma_start3A_4] : memref<524288xi32, #tpu.memory_space<hbm>> -> memref<4096xi32, #tpu.memory_space<hbm>>
    %dma_start3A_6 = arith.constant 262144 : i32
    %dma_start3A_7 = tpu.memref_slice %arg3[%dma_start3A_6] : memref<524288xi32, #tpu.memory_space<hbm>> -> memref<4096xi32, #tpu.memory_space<hbm>>
    tpu.enqueue_dma source(%dma_start3A_7 : memref<4096xi32, #tpu.memory_space<hbm>>) target(%arg14 : memref<4096xi32, #tpu.memory_space<vmem>>) target_semaphore(%arg17 : memref<!tpu.dma_semaphore, #tpu.memory_space<semaphore_mem>>)
    %mul3A_8 = arith.constant 4 : i32
    %mul3A_9 = arith.muli %add3A, %mul3A_8 : i32
    %add3A_10 = arith.constant 0 : i32
    %add3A_11 = arith.addi %mul3A_9, %add3A_10 : i32
    %mul3A_12 = arith.constant 11040 : i32
    %mul3A_13 = arith.muli %add3A_11, %mul3A_12 : i32
    %dma_start3A_14 = tpu.memref_slice %arg2[%mul3A_13] : memref<1413120xf32, #tpu.memory_space<hbm>> -> memref<11040xf32, #tpu.memory_space<hbm>>
    %dma_start3A_15 = tpu.memref_slice %arg2[%mul3A_13] : memref<1413120xf32, #tpu.memory_space<hbm>> -> memref<11040xf32, #tpu.memory_space<hbm>>
    tpu.enqueue_dma source(%dma_start3A_15 : memref<11040xf32, #tpu.memory_space<hbm>>) target(%arg5 : memref<11040xf32, #tpu.memory_space<vmem>>) target_semaphore(%arg18 : memref<!tpu.dma_semaphore, #tpu.memory_space<semaphore_mem>>)
    %mul3A_16 = arith.constant 4 : i32
    %mul3A_17 = arith.muli %add3A, %mul3A_16 : i32
    %add3A_18 = arith.constant 1 : i32
    %add3A_19 = arith.addi %mul3A_17, %add3A_18 : i32
    %mul3A_20 = arith.constant 11040 : i32
    %mul3A_21 = arith.muli %add3A_19, %mul3A_20 : i32
    %dma_start3A_22 = tpu.memref_slice %arg2[%mul3A_21] : memref<1413120xf32, #tpu.memory_space<hbm>> -> memref<11040xf32, #tpu.memory_space<hbm>>
    %dma_start3A_23 = tpu.memref_slice %arg2[%mul3A_21] : memref<1413120xf32, #tpu.memory_space<hbm>> -> memref<11040xf32, #tpu.memory_space<hbm>>
    tpu.enqueue_dma source(%dma_start3A_23 : memref<11040xf32, #tpu.memory_space<hbm>>) target(%arg6 : memref<11040xf32, #tpu.memory_space<vmem>>) target_semaphore(%arg18 : memref<!tpu.dma_semaphore, #tpu.memory_space<semaphore_mem>>)
    %mul3A_24 = arith.constant 4 : i32
    %mul3A_25 = arith.muli %add3A, %mul3A_24 : i32
    %add3A_26 = arith.constant 2 : i32
    %add3A_27 = arith.addi %mul3A_25, %add3A_26 : i32
    %mul3A_28 = arith.constant 11040 : i32
    %mul3A_29 = arith.muli %add3A_27, %mul3A_28 : i32
    %dma_start3A_30 = tpu.memref_slice %arg2[%mul3A_29] : memref<1413120xf32, #tpu.memory_space<hbm>> -> memref<11040xf32, #tpu.memory_space<hbm>>
    %dma_start3A_31 = tpu.memref_slice %arg2[%mul3A_29] : memref<1413120xf32, #tpu.memory_space<hbm>> -> memref<11040xf32, #tpu.memory_space<hbm>>
    tpu.enqueue_dma source(%dma_start3A_31 : memref<11040xf32, #tpu.memory_space<hbm>>) target(%arg7 : memref<11040xf32, #tpu.memory_space<vmem>>) target_semaphore(%arg18 : memref<!tpu.dma_semaphore, #tpu.memory_space<semaphore_mem>>)
    %mul3A_32 = arith.constant 4 : i32
    %mul3A_33 = arith.muli %add3A, %mul3A_32 : i32
    %add3A_34 = arith.constant 3 : i32
    %add3A_35 = arith.addi %mul3A_33, %add3A_34 : i32
    %mul3A_36 = arith.constant 11040 : i32
    %mul3A_37 = arith.muli %add3A_35, %mul3A_36 : i32
    %dma_start3A_38 = tpu.memref_slice %arg2[%mul3A_37] : memref<1413120xf32, #tpu.memory_space<hbm>> -> memref<11040xf32, #tpu.memory_space<hbm>>
    %dma_start3A_39 = tpu.memref_slice %arg2[%mul3A_37] : memref<1413120xf32, #tpu.memory_space<hbm>> -> memref<11040xf32, #tpu.memory_space<hbm>>
    tpu.enqueue_dma source(%dma_start3A_39 : memref<11040xf32, #tpu.memory_space<hbm>>) target(%arg8 : memref<11040xf32, #tpu.memory_space<vmem>>) target_semaphore(%arg18 : memref<!tpu.dma_semaphore, #tpu.memory_space<semaphore_mem>>)
    %broadcast_in_dim3A = arith.constant 0.000000e+00 : f32
    %broadcast_in_dim3A_40 = vector.broadcast %broadcast_in_dim3A : f32 to vector<16xf32>
    %parallel_loop3A = arith.constant 0 : i32
    %parallel_loop3A_41 = arith.constant 16384 : i32
    %parallel_loop3A_42 = arith.constant 16 : i32
    scf.for %parallel_loop3A_97 = %parallel_loop3A to %parallel_loop3A_41 step %parallel_loop3A_42  : i32 {
      %parallel_loop3A_98 = arith.index_cast %parallel_loop3A_97 : i32 to index
      %parallel_loop3A_99 = tpu.vector_load %arg9[%parallel_loop3A_98] {strides = array<i32>} : memref<16384xf32, #tpu.memory_space<vmem>>, vector<16xf32>,
      tpu.vector_store %arg9[%parallel_loop3A_98], %broadcast_in_dim3A_40 {strides = array<i32>} : memref<16384xf32, #tpu.memory_space<vmem>>, vector<16xf32>,
    } {sc.loop_unroll_factor = 8 : i64, sc.parallel_access}
    %parallel_loop3A_43 = arith.constant 0 : i32
    %parallel_loop3A_44 = arith.constant 16384 : i32
    %parallel_loop3A_45 = arith.constant 16 : i32
    scf.for %parallel_loop3A_97 = %parallel_loop3A_43 to %parallel_loop3A_44 step %parallel_loop3A_45  : i32 {
      %parallel_loop3A_98 = arith.index_cast %parallel_loop3A_97 : i32 to index
      %parallel_loop3A_99 = tpu.vector_load %arg10[%parallel_loop3A_98] {strides = array<i32>} : memref<16384xf32, #tpu.memory_space<vmem>>, vector<16xf32>,
      tpu.vector_store %arg10[%parallel_loop3A_98], %broadcast_in_dim3A_40 {strides = array<i32>} : memref<16384xf32, #tpu.memory_space<vmem>>, vector<16xf32>,
    } {sc.loop_unroll_factor = 8 : i64, sc.parallel_access}
    %parallel_loop3A_46 = arith.constant 0 : i32
    %parallel_loop3A_47 = arith.constant 16384 : i32
    %parallel_loop3A_48 = arith.constant 16 : i32
    scf.for %parallel_loop3A_97 = %parallel_loop3A_46 to %parallel_loop3A_47 step %parallel_loop3A_48  : i32 {
      %parallel_loop3A_98 = arith.index_cast %parallel_loop3A_97 : i32 to index
      %parallel_loop3A_99 = tpu.vector_load %arg11[%parallel_loop3A_98] {strides = array<i32>} : memref<16384xf32, #tpu.memory_space<vmem>>, vector<16xf32>,
      tpu.vector_store %arg11[%parallel_loop3A_98], %broadcast_in_dim3A_40 {strides = array<i32>} : memref<16384xf32, #tpu.memory_space<vmem>>, vector<16xf32>,
    } {sc.loop_unroll_factor = 8 : i64, sc.parallel_access}
    %parallel_loop3A_49 = arith.constant 0 : i32
    %parallel_loop3A_50 = arith.constant 16384 : i32
    %parallel_loop3A_51 = arith.constant 16 : i32
    scf.for %parallel_loop3A_97 = %parallel_loop3A_49 to %parallel_loop3A_50 step %parallel_loop3A_51  : i32 {
      %parallel_loop3A_98 = arith.index_cast %parallel_loop3A_97 : i32 to index
      %parallel_loop3A_99 = tpu.vector_load %arg12[%parallel_loop3A_98] {strides = array<i32>} : memref<16384xf32, #tpu.memory_space<vmem>>, vector<16xf32>,
      tpu.vector_store %arg12[%parallel_loop3A_98], %broadcast_in_dim3A_40 {strides = array<i32>} : memref<16384xf32, #tpu.memory_space<vmem>>, vector<16xf32>,
    } {sc.loop_unroll_factor = 8 : i64, sc.parallel_access}
    %dma_wait3A = arith.constant 0 : i32
    %dma_wait3A_52 = tpu.memref_slice %arg2[%dma_wait3A] : memref<1413120xf32, #tpu.memory_space<hbm>> -> memref<11040xf32, #tpu.memory_space<hbm>>
    %dma_wait3A_53 = arith.constant 0 : i32
    %dma_wait3A_54 = tpu.memref_slice %arg2[%dma_wait3A_53] : memref<1413120xf32, #tpu.memory_space<hbm>> -> memref<11040xf32, #tpu.memory_space<hbm>>
    tpu.wait_dma2 semaphore(%arg18 : memref<!tpu.dma_semaphore, #tpu.memory_space<semaphore_mem>>) src(%dma_wait3A_54 : memref<11040xf32, #tpu.memory_space<hbm>>) dst(%arg5 : memref<11040xf32, #tpu.memory_space<vmem>>)
    %dma_wait3A_55 = arith.constant 0 : i32
    %dma_wait3A_56 = tpu.memref_slice %arg2[%dma_wait3A_55] : memref<1413120xf32, #tpu.memory_space<hbm>> -> memref<11040xf32, #tpu.memory_space<hbm>>
    %dma_wait3A_57 = arith.constant 0 : i32
    %dma_wait3A_58 = tpu.memref_slice %arg2[%dma_wait3A_57] : memref<1413120xf32, #tpu.memory_space<hbm>> -> memref<11040xf32, #tpu.memory_space<hbm>>
    tpu.wait_dma2 semaphore(%arg18 : memref<!tpu.dma_semaphore, #tpu.memory_space<semaphore_mem>>) src(%dma_wait3A_58 : memref<11040xf32, #tpu.memory_space<hbm>>) dst(%arg6 : memref<11040xf32, #tpu.memory_space<vmem>>)
    %dma_wait3A_59 = arith.constant 0 : i32
    %dma_wait3A_60 = tpu.memref_slice %arg2[%dma_wait3A_59] : memref<1413120xf32, #tpu.memory_space<hbm>> -> memref<11040xf32, #tpu.memory_space<hbm>>
    %dma_wait3A_61 = arith.constant 0 : i32
    %dma_wait3A_62 = tpu.memref_slice %arg2[%dma_wait3A_61] : memref<1413120xf32, #tpu.memory_space<hbm>> -> memref<11040xf32, #tpu.memory_space<hbm>>
    tpu.wait_dma2 semaphore(%arg18 : memref<!tpu.dma_semaphore, #tpu.memory_space<semaphore_mem>>) src(%dma_wait3A_62 : memref<11040xf32, #tpu.memory_space<hbm>>) dst(%arg7 : memref<11040xf32, #tpu.memory_space<vmem>>)
    %dma_wait3A_63 = arith.constant 0 : i32
    %dma_wait3A_64 = tpu.memref_slice %arg2[%dma_wait3A_63] : memref<1413120xf32, #tpu.memory_space<hbm>> -> memref<11040xf32, #tpu.memory_space<hbm>>
    %dma_wait3A_65 = arith.constant 0 : i32
    %dma_wait3A_66 = tpu.memref_slice %arg2[%dma_wait3A_65] : memref<1413120xf32, #tpu.memory_space<hbm>> -> memref<11040xf32, #tpu.memory_space<hbm>>
    tpu.wait_dma2 semaphore(%arg18 : memref<!tpu.dma_semaphore, #tpu.memory_space<semaphore_mem>>) src(%dma_wait3A_66 : memref<11040xf32, #tpu.memory_space<hbm>>) dst(%arg8 : memref<11040xf32, #tpu.memory_space<vmem>>)
    %scan3A = arith.constant 0 : i32
    %scan3A_67 = arith.constant 0 : i32
    %scan3A_68 = arith.constant 32 : i32
    %scan3A_69 = arith.addi %scan3A_67, %scan3A_68 : i32
    %scan3A_70 = arith.constant 1 : i32
    %scan3A_71 = scf.for %scan3A_97 = %scan3A_67 to %scan3A_69 step %scan3A_70 iter_args(%scan3A_98 = %scan3A) -> (i32)  : i32 {
      %mul3A_99 = arith.constant 2 : i32
      %mul3A_100 = arith.muli %scan3A_97, %mul3A_99 : i32
      %add3A_101 = arith.constant 1 : i32
      %add3A_102 = arith.addi %mul3A_100, %add3A_101 : i32
      %mul3A_103 = arith.constant 4096 : i32
      %mul3A_104 = arith.muli %add3A_102, %mul3A_103 : i32
      %dma_start3A_105 = tpu.memref_slice %arg3[%mul3A_104] : memref<524288xi32, #tpu.memory_space<hbm>> -> memref<4096xi32, #tpu.memory_space<hbm>>
      %dma_start3A_106 = tpu.memref_slice %arg3[%mul3A_104] : memref<524288xi32, #tpu.memory_space<hbm>> -> memref<4096xi32, #tpu.memory_space<hbm>>
      tpu.enqueue_dma source(%dma_start3A_106 : memref<4096xi32, #tpu.memory_space<hbm>>) target(%arg15 : memref<4096xi32, #tpu.memory_space<vmem>>) target_semaphore(%arg18 : memref<!tpu.dma_semaphore, #tpu.memory_space<semaphore_mem>>)
      %add3A_107 = arith.constant 262144 : i32
      %add3A_108 = arith.addi %add3A_107, %mul3A_104 : i32
      %dma_start3A_109 = tpu.memref_slice %arg3[%add3A_108] : memref<524288xi32, #tpu.memory_space<hbm>> -> memref<4096xi32, #tpu.memory_space<hbm>>
      %dma_start3A_110 = tpu.memref_slice %arg3[%add3A_108] : memref<524288xi32, #tpu.memory_space<hbm>> -> memref<4096xi32, #tpu.memory_space<hbm>>
      tpu.enqueue_dma source(%dma_start3A_110 : memref<4096xi32, #tpu.memory_space<hbm>>) target(%arg16 : memref<4096xi32, #tpu.memory_space<vmem>>) target_semaphore(%arg18 : memref<!tpu.dma_semaphore, #tpu.memory_space<semaphore_mem>>)
      %dma_wait3A_111 = arith.constant 0 : i32
      %dma_wait3A_112 = tpu.memref_slice %arg3[%dma_wait3A_111] : memref<524288xi32, #tpu.memory_space<hbm>> -> memref<4096xi32, #tpu.memory_space<hbm>>
      %dma_wait3A_113 = arith.constant 0 : i32
      %dma_wait3A_114 = tpu.memref_slice %arg3[%dma_wait3A_113] : memref<524288xi32, #tpu.memory_space<hbm>> -> memref<4096xi32, #tpu.memory_space<hbm>>
      tpu.wait_dma2 semaphore(%arg17 : memref<!tpu.dma_semaphore, #tpu.memory_space<semaphore_mem>>) src(%dma_wait3A_114 : memref<4096xi32, #tpu.memory_space<hbm>>) dst(%arg13 : memref<4096xi32, #tpu.memory_space<vmem>>)
      %dma_wait3A_115 = arith.constant 0 : i32
      %dma_wait3A_116 = tpu.memref_slice %arg3[%dma_wait3A_115] : memref<524288xi32, #tpu.memory_space<hbm>> -> memref<4096xi32, #tpu.memory_space<hbm>>
      %dma_wait3A_117 = arith.constant 0 : i32
      %dma_wait3A_118 = tpu.memref_slice %arg3[%dma_wait3A_117] : memref<524288xi32, #tpu.memory_space<hbm>> -> memref<4096xi32, #tpu.memory_space<hbm>>
      tpu.wait_dma2 semaphore(%arg17 : memref<!tpu.dma_semaphore, #tpu.memory_space<semaphore_mem>>) src(%dma_wait3A_118 : memref<4096xi32, #tpu.memory_space<hbm>>) dst(%arg14 : memref<4096xi32, #tpu.memory_space<vmem>>)
      %parallel_loop3A_119 = arith.constant 0 : i32
      %parallel_loop3A_120 = arith.constant 4096 : i32
      %parallel_loop3A_121 = arith.constant 16 : i32
      scf.for %parallel_loop3A_138 = %parallel_loop3A_119 to %parallel_loop3A_120 step %parallel_loop3A_121  : i32 {
        %parallel_loop3A_139 = arith.index_cast %parallel_loop3A_138 : i32 to index
        %parallel_loop3A_140 = tpu.vector_load %arg13[%parallel_loop3A_139] {strides = array<i32>} : memref<4096xi32, #tpu.memory_space<vmem>>, vector<16xi32>,
        %parallel_loop3A_141 = arith.constant 16383 : i32
        %parallel_loop3A_142 = vector.broadcast %parallel_loop3A_141 : i32 to vector<16xi32>
        %parallel_loop3A_143 = arith.andi %parallel_loop3A_140, %parallel_loop3A_142 : vector<16xi32>
        %parallel_loop3A_144 = arith.constant 14 : i32
        %parallel_loop3A_145 = vector.broadcast %parallel_loop3A_144 : i32 to vector<16xi32>
        %parallel_loop3A_146 = arith.shrui %parallel_loop3A_140, %parallel_loop3A_145 : vector<16xi32>
        %parallel_loop3A_147 = arith.index_cast %parallel_loop3A_138 : i32 to index
        %parallel_loop3A_148 = tpu.vector_load %arg14[%parallel_loop3A_147] {strides = array<i32>} : memref<4096xi32, #tpu.memory_space<vmem>>, vector<16xi32>,
        %parallel_loop3A_149 = vector.bitcast %parallel_loop3A_148 : vector<16xi32> to vector<16xf32>
        %parallel_loop3A_150 = tpu.vector_load_idx %arg5[%parallel_loop3A_143] : memref<11040xf32, #tpu.memory_space<vmem>>[vector<16xi32>], vector<16xf32>,
        %parallel_loop3A_151 = arith.mulf %parallel_loop3A_150, %parallel_loop3A_149 : vector<16xf32>
        tpu.vector_store_idx %arg9[%parallel_loop3A_146], %parallel_loop3A_151 {add = true} : memref<16384xf32, #tpu.memory_space<vmem>>[vector<16xi32>], vector<16xf32>,
        %parallel_loop3A_152 = tpu.vector_load_idx %arg6[%parallel_loop3A_143] : memref<11040xf32, #tpu.memory_space<vmem>>[vector<16xi32>], vector<16xf32>,
        %parallel_loop3A_153 = arith.mulf %parallel_loop3A_152, %parallel_loop3A_149 : vector<16xf32>
        tpu.vector_store_idx %arg10[%parallel_loop3A_146], %parallel_loop3A_153 {add = true} : memref<16384xf32, #tpu.memory_space<vmem>>[vector<16xi32>], vector<16xf32>,
        %parallel_loop3A_154 = tpu.vector_load_idx %arg7[%parallel_loop3A_143] : memref<11040xf32, #tpu.memory_space<vmem>>[vector<16xi32>], vector<16xf32>,
        %parallel_loop3A_155 = arith.mulf %parallel_loop3A_154, %parallel_loop3A_149 : vector<16xf32>
        tpu.vector_store_idx %arg11[%parallel_loop3A_146], %parallel_loop3A_155 {add = true} : memref<16384xf32, #tpu.memory_space<vmem>>[vector<16xi32>], vector<16xf32>,
        %parallel_loop3A_156 = tpu.vector_load_idx %arg8[%parallel_loop3A_143] : memref<11040xf32, #tpu.memory_space<vmem>>[vector<16xi32>], vector<16xf32>,
        %parallel_loop3A_157 = arith.mulf %parallel_loop3A_156, %parallel_loop3A_149 : vector<16xf32>
        tpu.vector_store_idx %arg12[%parallel_loop3A_146], %parallel_loop3A_157 {add = true} : memref<16384xf32, #tpu.memory_space<vmem>>[vector<16xi32>], vector<16xf32>,
      } {sc.loop_unroll_factor = 8 : i64, sc.parallel_access}
      %add3A_122 = arith.constant 1 : i32
      %add3A_123 = arith.addi %scan3A_97, %add3A_122 : i32
      %lt3A = arith.constant 32 : i32
      %lt3A_124 = arith.cmpi slt, %add3A_123, %lt3A : i32
      %convert_element_type3A = arith.extui %lt3A_124 : i1 to i32
      %cond3A = arith.constant 0 : i32
      %cond3A_125 = arith.cmpi ne, %convert_element_type3A, %cond3A : i32
      scf.if %cond3A_125 {
        %add3A_138 = arith.constant 2 : i32
        %add3A_139 = arith.addi %mul3A_100, %add3A_138 : i32
        %mul3A_140 = arith.constant 4096 : i32
        %mul3A_141 = arith.muli %add3A_139, %mul3A_140 : i32
        %dma_start3A_142 = tpu.memref_slice %arg3[%mul3A_141] : memref<524288xi32, #tpu.memory_space<hbm>> -> memref<4096xi32, #tpu.memory_space<hbm>>
        %dma_start3A_143 = tpu.memref_slice %arg3[%mul3A_141] : memref<524288xi32, #tpu.memory_space<hbm>> -> memref<4096xi32, #tpu.memory_space<hbm>>
        tpu.enqueue_dma source(%dma_start3A_143 : memref<4096xi32, #tpu.memory_space<hbm>>) target(%arg13 : memref<4096xi32, #tpu.memory_space<vmem>>) target_semaphore(%arg17 : memref<!tpu.dma_semaphore, #tpu.memory_space<semaphore_mem>>)
        %add3A_144 = arith.constant 262144 : i32
        %add3A_145 = arith.addi %add3A_144, %mul3A_141 : i32
        %dma_start3A_146 = tpu.memref_slice %arg3[%add3A_145] : memref<524288xi32, #tpu.memory_space<hbm>> -> memref<4096xi32, #tpu.memory_space<hbm>>
        %dma_start3A_147 = tpu.memref_slice %arg3[%add3A_145] : memref<524288xi32, #tpu.memory_space<hbm>> -> memref<4096xi32, #tpu.memory_space<hbm>>
        tpu.enqueue_dma source(%dma_start3A_147 : memref<4096xi32, #tpu.memory_space<hbm>>) target(%arg14 : memref<4096xi32, #tpu.memory_space<vmem>>) target_semaphore(%arg17 : memref<!tpu.dma_semaphore, #tpu.memory_space<semaphore_mem>>)
      } else {
      }
      %dma_wait3A_126 = arith.constant 0 : i32
      %dma_wait3A_127 = tpu.memref_slice %arg3[%dma_wait3A_126] : memref<524288xi32, #tpu.memory_space<hbm>> -> memref<4096xi32, #tpu.memory_space<hbm>>
      %dma_wait3A_128 = arith.constant 0 : i32
      %dma_wait3A_129 = tpu.memref_slice %arg3[%dma_wait3A_128] : memref<524288xi32, #tpu.memory_space<hbm>> -> memref<4096xi32, #tpu.memory_space<hbm>>
      tpu.wait_dma2 semaphore(%arg18 : memref<!tpu.dma_semaphore, #tpu.memory_space<semaphore_mem>>) src(%dma_wait3A_129 : memref<4096xi32, #tpu.memory_space<hbm>>) dst(%arg15 : memref<4096xi32, #tpu.memory_space<vmem>>)
      %dma_wait3A_130 = arith.constant 0 : i32
      %dma_wait3A_131 = tpu.memref_slice %arg3[%dma_wait3A_130] : memref<524288xi32, #tpu.memory_space<hbm>> -> memref<4096xi32, #tpu.memory_space<hbm>>
      %dma_wait3A_132 = arith.constant 0 : i32
      %dma_wait3A_133 = tpu.memref_slice %arg3[%dma_wait3A_132] : memref<524288xi32, #tpu.memory_space<hbm>> -> memref<4096xi32, #tpu.memory_space<hbm>>
      tpu.wait_dma2 semaphore(%arg18 : memref<!tpu.dma_semaphore, #tpu.memory_space<semaphore_mem>>) src(%dma_wait3A_133 : memref<4096xi32, #tpu.memory_space<hbm>>) dst(%arg16 : memref<4096xi32, #tpu.memory_space<vmem>>)
      %parallel_loop3A_134 = arith.constant 0 : i32
      %parallel_loop3A_135 = arith.constant 4096 : i32
      %parallel_loop3A_136 = arith.constant 16 : i32
      scf.for %parallel_loop3A_138 = %parallel_loop3A_134 to %parallel_loop3A_135 step %parallel_loop3A_136  : i32 {
        %parallel_loop3A_139 = arith.index_cast %parallel_loop3A_138 : i32 to index
        %parallel_loop3A_140 = tpu.vector_load %arg15[%parallel_loop3A_139] {strides = array<i32>} : memref<4096xi32, #tpu.memory_space<vmem>>, vector<16xi32>,
        %parallel_loop3A_141 = arith.constant 16383 : i32
        %parallel_loop3A_142 = vector.broadcast %parallel_loop3A_141 : i32 to vector<16xi32>
        %parallel_loop3A_143 = arith.andi %parallel_loop3A_140, %parallel_loop3A_142 : vector<16xi32>
        %parallel_loop3A_144 = arith.constant 14 : i32
        %parallel_loop3A_145 = vector.broadcast %parallel_loop3A_144 : i32 to vector<16xi32>
        %parallel_loop3A_146 = arith.shrui %parallel_loop3A_140, %parallel_loop3A_145 : vector<16xi32>
        %parallel_loop3A_147 = arith.index_cast %parallel_loop3A_138 : i32 to index
        %parallel_loop3A_148 = tpu.vector_load %arg16[%parallel_loop3A_147] {strides = array<i32>} : memref<4096xi32, #tpu.memory_space<vmem>>, vector<16xi32>,
        %parallel_loop3A_149 = vector.bitcast %parallel_loop3A_148 : vector<16xi32> to vector<16xf32>
        %parallel_loop3A_150 = tpu.vector_load_idx %arg5[%parallel_loop3A_143] : memref<11040xf32, #tpu.memory_space<vmem>>[vector<16xi32>], vector<16xf32>,
        %parallel_loop3A_151 = arith.mulf %parallel_loop3A_150, %parallel_loop3A_149 : vector<16xf32>
        tpu.vector_store_idx %arg9[%parallel_loop3A_146], %parallel_loop3A_151 {add = true} : memref<16384xf32, #tpu.memory_space<vmem>>[vector<16xi32>], vector<16xf32>,
        %parallel_loop3A_152 = tpu.vector_load_idx %arg6[%parallel_loop3A_143] : memref<11040xf32, #tpu.memory_space<vmem>>[vector<16xi32>], vector<16xf32>,
        %parallel_loop3A_153 = arith.mulf %parallel_loop3A_152, %parallel_loop3A_149 : vector<16xf32>
        tpu.vector_store_idx %arg10[%parallel_loop3A_146], %parallel_loop3A_153 {add = true} : memref<16384xf32, #tpu.memory_space<vmem>>[vector<16xi32>], vector<16xf32>,
        %parallel_loop3A_154 = tpu.vector_load_idx %arg7[%parallel_loop3A_143] : memref<11040xf32, #tpu.memory_space<vmem>>[vector<16xi32>], vector<16xf32>,
        %parallel_loop3A_155 = arith.mulf %parallel_loop3A_154, %parallel_loop3A_149 : vector<16xf32>
        tpu.vector_store_idx %arg11[%parallel_loop3A_146], %parallel_loop3A_155 {add = true} : memref<16384xf32, #tpu.memory_space<vmem>>[vector<16xi32>], vector<16xf32>,
        %parallel_loop3A_156 = tpu.vector_load_idx %arg8[%parallel_loop3A_143] : memref<11040xf32, #tpu.memory_space<vmem>>[vector<16xi32>], vector<16xf32>,
        %parallel_loop3A_157 = arith.mulf %parallel_loop3A_156, %parallel_loop3A_149 : vector<16xf32>
        tpu.vector_store_idx %arg12[%parallel_loop3A_146], %parallel_loop3A_157 {add = true} : memref<16384xf32, #tpu.memory_space<vmem>>[vector<16xi32>], vector<16xf32>,
      } {sc.loop_unroll_factor = 8 : i64, sc.parallel_access}
      %scan3A_137 = arith.constant 0 : i32
      scf.yield %scan3A_137 : i32
    }
    %scan3A_72 = arith.constant 32 : i32
    %mul3A_73 = arith.constant 4 : i32
    %mul3A_74 = arith.muli %add3A, %mul3A_73 : i32
    %add3A_75 = arith.constant 0 : i32
    %add3A_76 = arith.addi %mul3A_74, %add3A_75 : i32
    %mul3A_77 = arith.constant 16384 : i32
    %mul3A_78 = arith.muli %add3A_76, %mul3A_77 : i32
    "tpu.region"() ({
      %run_scoped3A = tpu.sem_alloc : memref<!tpu.dma_semaphore, #tpu.memory_space<semaphore_mem>>
      %dma_start3A_97 = tpu.memref_slice %arg4[%mul3A_78] : memref<2097152xf32, #tpu.memory_space<hbm>> -> memref<16384xf32, #tpu.memory_space<hbm>>
      %dma_start3A_98 = tpu.memref_slice %arg4[%mul3A_78] : memref<2097152xf32, #tpu.memory_space<hbm>> -> memref<16384xf32, #tpu.memory_space<hbm>>
      tpu.enqueue_dma source(%arg9 : memref<16384xf32, #tpu.memory_space<vmem>>) target(%dma_start3A_98 : memref<16384xf32, #tpu.memory_space<hbm>>) target_semaphore(%run_scoped3A : memref<!tpu.dma_semaphore, #tpu.memory_space<semaphore_mem>>)
      %dma_wait3A_99 = tpu.memref_slice %arg4[%mul3A_78] : memref<2097152xf32, #tpu.memory_space<hbm>> -> memref<16384xf32, #tpu.memory_space<hbm>>
      %dma_wait3A_100 = tpu.memref_slice %arg4[%mul3A_78] : memref<2097152xf32, #tpu.memory_space<hbm>> -> memref<16384xf32, #tpu.memory_space<hbm>>
      tpu.wait_dma2 semaphore(%run_scoped3A : memref<!tpu.dma_semaphore, #tpu.memory_space<semaphore_mem>>) src(%arg9 : memref<16384xf32, #tpu.memory_space<vmem>>) dst(%dma_wait3A_100 : memref<16384xf32, #tpu.memory_space<hbm>>)
      tpu.yield
    }) : () -> ()
    %mul3A_79 = arith.constant 4 : i32
    %mul3A_80 = arith.muli %add3A, %mul3A_79 : i32
    %add3A_81 = arith.constant 1 : i32
    %add3A_82 = arith.addi %mul3A_80, %add3A_81 : i32
    %mul3A_83 = arith.constant 16384 : i32
    %mul3A_84 = arith.muli %add3A_82, %mul3A_83 : i32
    "tpu.region"() ({
      %run_scoped3A = tpu.sem_alloc : memref<!tpu.dma_semaphore, #tpu.memory_space<semaphore_mem>>
      %dma_start3A_97 = tpu.memref_slice %arg4[%mul3A_84] : memref<2097152xf32, #tpu.memory_space<hbm>> -> memref<16384xf32, #tpu.memory_space<hbm>>
      %dma_start3A_98 = tpu.memref_slice %arg4[%mul3A_84] : memref<2097152xf32, #tpu.memory_space<hbm>> -> memref<16384xf32, #tpu.memory_space<hbm>>
      tpu.enqueue_dma source(%arg10 : memref<16384xf32, #tpu.memory_space<vmem>>) target(%dma_start3A_98 : memref<16384xf32, #tpu.memory_space<hbm>>) target_semaphore(%run_scoped3A : memref<!tpu.dma_semaphore, #tpu.memory_space<semaphore_mem>>)
      %dma_wait3A_99 = tpu.memref_slice %arg4[%mul3A_84] : memref<2097152xf32, #tpu.memory_space<hbm>> -> memref<16384xf32, #tpu.memory_space<hbm>>
      %dma_wait3A_100 = tpu.memref_slice %arg4[%mul3A_84] : memref<2097152xf32, #tpu.memory_space<hbm>> -> memref<16384xf32, #tpu.memory_space<hbm>>
      tpu.wait_dma2 semaphore(%run_scoped3A : memref<!tpu.dma_semaphore, #tpu.memory_space<semaphore_mem>>) src(%arg10 : memref<16384xf32, #tpu.memory_space<vmem>>) dst(%dma_wait3A_100 : memref<16384xf32, #tpu.memory_space<hbm>>)
      tpu.yield
    }) : () -> ()
    %mul3A_85 = arith.constant 4 : i32
    %mul3A_86 = arith.muli %add3A, %mul3A_85 : i32
    %add3A_87 = arith.constant 2 : i32
    %add3A_88 = arith.addi %mul3A_86, %add3A_87 : i32
    %mul3A_89 = arith.constant 16384 : i32
    %mul3A_90 = arith.muli %add3A_88, %mul3A_89 : i32
    "tpu.region"() ({
      %run_scoped3A = tpu.sem_alloc : memref<!tpu.dma_semaphore, #tpu.memory_space<semaphore_mem>>
      %dma_start3A_97 = tpu.memref_slice %arg4[%mul3A_90] : memref<2097152xf32, #tpu.memory_space<hbm>> -> memref<16384xf32, #tpu.memory_space<hbm>>
      %dma_start3A_98 = tpu.memref_slice %arg4[%mul3A_90] : memref<2097152xf32, #tpu.memory_space<hbm>> -> memref<16384xf32, #tpu.memory_space<hbm>>
      tpu.enqueue_dma source(%arg11 : memref<16384xf32, #tpu.memory_space<vmem>>) target(%dma_start3A_98 : memref<16384xf32, #tpu.memory_space<hbm>>) target_semaphore(%run_scoped3A : memref<!tpu.dma_semaphore, #tpu.memory_space<semaphore_mem>>)
      %dma_wait3A_99 = tpu.memref_slice %arg4[%mul3A_90] : memref<2097152xf32, #tpu.memory_space<hbm>> -> memref<16384xf32, #tpu.memory_space<hbm>>
      %dma_wait3A_100 = tpu.memref_slice %arg4[%mul3A_90] : memref<2097152xf32, #tpu.memory_space<hbm>> -> memref<16384xf32, #tpu.memory_space<hbm>>
      tpu.wait_dma2 semaphore(%run_scoped3A : memref<!tpu.dma_semaphore, #tpu.memory_space<semaphore_mem>>) src(%arg11 : memref<16384xf32, #tpu.memory_space<vmem>>) dst(%dma_wait3A_100 : memref<16384xf32, #tpu.memory_space<hbm>>)
      tpu.yield
    }) : () -> ()
    %mul3A_91 = arith.constant 4 : i32
    %mul3A_92 = arith.muli %add3A, %mul3A_91 : i32
    %add3A_93 = arith.constant 3 : i32
    %add3A_94 = arith.addi %mul3A_92, %add3A_93 : i32
    %mul3A_95 = arith.constant 16384 : i32
    %mul3A_96 = arith.muli %add3A_94, %mul3A_95 : i32
    "tpu.region"() ({
      %run_scoped3A = tpu.sem_alloc : memref<!tpu.dma_semaphore, #tpu.memory_space<semaphore_mem>>
      %dma_start3A_97 = tpu.memref_slice %arg4[%mul3A_96] : memref<2097152xf32, #tpu.memory_space<hbm>> -> memref<16384xf32, #tpu.memory_space<hbm>>
      %dma_start3A_98 = tpu.memref_slice %arg4[%mul3A_96] : memref<2097152xf32, #tpu.memory_space<hbm>> -> memref<16384xf32, #tpu.memory_space<hbm>>
      tpu.enqueue_dma source(%arg12 : memref<16384xf32, #tpu.memory_space<vmem>>) target(%dma_start3A_98 : memref<16384xf32, #tpu.memory_space<hbm>>) target_semaphore(%run_scoped3A : memref<!tpu.dma_semaphore, #tpu.memory_space<semaphore_mem>>)
      %dma_wait3A_99 = tpu.memref_slice %arg4[%mul3A_96] : memref<2097152xf32, #tpu.memory_space<hbm>> -> memref<16384xf32, #tpu.memory_space<hbm>>
      %dma_wait3A_100 = tpu.memref_slice %arg4[%mul3A_96] : memref<2097152xf32, #tpu.memory_space<hbm>> -> memref<16384xf32, #tpu.memory_space<hbm>>
      tpu.wait_dma2 semaphore(%run_scoped3A : memref<!tpu.dma_semaphore, #tpu.memory_space<semaphore_mem>>) src(%arg12 : memref<16384xf32, #tpu.memory_space<vmem>>) dst(%dma_wait3A_100 : memref<16384xf32, #tpu.memory_space<hbm>>)
      tpu.yield
    }) : () -> ()
    return
  }
}

</mosaic_0001>

<sc_bundles>
// kernel: _ht2im.3.cloned.1.call-start
scs
__scs_entry_jumppad:
0x0: {  	(pc) =	sbr.rel $0x88, $3  }
0x1: {  	(tag) =	ssettag $0x0;
	lr =	simm.s32 $0x1  }
0x2: {  	[smem:$0x3F9F] =	sst lr;
	_ =	strace $0xD0000000  }
0x3: {  	_ = 	snop  }
0x4: {  	_ = 	snop  }
0x5: {  	_ = 	snop  }
0x6: {  	_ = 	snop  }
0x7: {  	_ = 	snop  }
__scs_overlays_trampoline_lowered:
0x8: {  	[smem:$0x3FAE] =	sst s0  }
0x9: {  	[smem:$0x3FAF] =	sst s1  }
0xa: {  	[smem:$0x3FB0] =	sst s2  }
0xb: {  	[smem:$0x3FB1] =	sst s3  }
0xc: {  	[smem:$0x3FB2] =	sst s4  }
0xd: {  	[smem:$0x3FB3] =	sst s5  }
0xe: {  	[smem:$0x3FB4] =	sst s6  }
0xf: {  	[smem:$0x3FB5] =	sst s7  }
0x10: {  	[smem:$0x3FB6] =	sst s8  }
0x11: {  	[smem:$0x3FB7] =	sst s9;
	s0 =	simm.s32 @!p0 $0x0  }
0x12: {  	s1 =	sld [smem:$0x3F9D];
	s0 =	simm.s32 @p0 $0x1  }
0x13: {  	[smem:$0x3FB8] =	sst s0;
	s0 =	simm.s32 @!p1 $0x0  }
0x14: {  	s2 =	sld [smem:$0x3F9C];
	s0 =	simm.s32 @p1 $0x1  }
0x15: {  	[smem:$0x3FB9] =	sst s0;
	s0 =	simm.s32 @!p2 $0x0  }
0x16: {  	s3 =	sld [smem:$0x3FDB];
	s0 =	simm.s32 @p2 $0x1  }
0x17: {  	s4 =	simm.s32 $0x1BF5;
	[smem:$0x3FBB] =	sst s0  }
0x18: {  	s0 =	sld [smem:$0x3F9E];
	_ =	swait.ge [sflag:s4], $0x0  }
0x19: {  	s7 =	sld [smem:$0x3F9F]  }
0x1a: {  	s8 =	sadd.s32 $0xFFFFE003, lr  }
0x1b: {  	s9 =	sadd.s32 $0xFFFFFEF7, lr;
	s5 =	simm.s32 $0xFFFFFFFF;
	p2 =	slt.u32 s8, $0xFFFFF086  }
0x1c: {  	p1 =	slt.u32 s9, $0xF7A;
	s5 =	simm.s32 @!p2 $0x0  }
0x1d: {  	s5 =	simm.s32 @p1 $0x1;
	p0 =	seq.s32 s7, s2  }
0x1e: {  	s7 =	smul.u32 @!p0 $0xF7A, s2;
	p2 =	seq.s32 @!p0 s5, $0x0  }
0x1f: {  	s9 =	smul.u32 $0xF7A, s1;
	s8 =	simm.s32 @!p0 $0x1BF5;
	p2 =	por !p2, p0  }
0x20: {  	[sflag:s8] =	ssyncset.s32 @!p0 $0xFFFFF086;
	s6 =	sadd.s32 @!p0 s3, s7;
	s7 =	simm.s32 @!p0 $0x108  }
0x21: {  	s3 =	sadd.s32 s3, s9;
	s6 =	sadd.s32 @!p0 $0x88, s6;
	s7 =	simm.s32 @p2 $0x1082  }
0x22: {  	[simem:s7], [sflag:s8] =	dma.local @!p0 [hbm:s6], $0xF7A  }
0x23: {  	s9 =	sor.u32 $0xD0000000, s2;
	s6 =	simm.s32 $0x108;
	_ =	swait.ge @!p0 [sflag:s8], $0x0  }
0x24: {  	s3 =	sadd.s32 $0x88, s3;
	s6 =	simm.s32 @!p1 $0x1082;
	[sflag:s4] =	ssyncset.s32 $0xFFFFF086  }
0x25: {  	[simem:s6], [sflag:s4] =	dma.local [hbm:s3], $0xF7A  }
0x26: {  	[smem:$0x3F9F] =	sst s1;
	(tag) =	ssettag s2;
	_ =	strace s9  }
0x27: {  	s1 =	sld [smem:$0x3FAF]  }
0x28: {  	s2 =	sld [smem:$0x3FB0]  }
0x29: {  	s4 =	sld [smem:$0x3FB2]  }
0x2a: {  	p0 =	seq.s32 s5, $0x0;
	s5 =	sld [smem:$0x3FB3]  }
0x2b: {  	s6 =	sld [smem:$0x3FB4]  }
0x2c: {  	s7 =	sld [smem:$0x3FB5]  }
0x2d: {  	s3 =	simm.s32 $0x108;
	s8 =	sld [smem:$0x3FB6]  }
0x2e: {  	s3 =	simm.s32 @!p0 $0x1082;
	s9 =	sld [smem:$0x3FB7]  }
0x2f: {  	lr =	sadd.s32 s0, s3;
	s0 =	sld [smem:$0x3FAE]  }
0x30: {  	s3 =	sld [smem:$0x3FB1]  }
0x31: {  	[smem:$0x3FBA] =	sst s10  }
0x32: {  	s10 =	sld [smem:$0x3FB8];
	_ =	sdelay $0x3  }
0x33: {  	p0 =	seq.s32 s10, $0x1;
	s10 =	sld [smem:$0x3FBA];
	_ =	sdelay $0x3  }
0x34: {  	[smem:$0x3FBA] =	sst s10  }
0x35: {  	s10 =	sld [smem:$0x3FB9];
	_ =	sdelay $0x3  }
0x36: {  	p1 =	seq.s32 s10, $0x1;
	s10 =	sld [smem:$0x3FBA];
	_ =	sdelay $0x3  }
0x37: {  	[smem:$0x3FBA] =	sst s10  }
0x38: {  	s10 =	sld [smem:$0x3FBB]  }
0x39: {  	_ = 	snop;
	(pc) =	sbr.ind lr, $3  }
0x3a: {  	_ = 	snop  }
0x3b: {  	_ = 	snop  }
0x3c: {  	p2 =	seq.s32 s10, $0x1;
	s10 =	sld [smem:$0x3FBA]  }
0x3d: {  	_ =	shalt  }
0x3e: {  	_ =	shalt  }
0x3f: {  	_ =	shalt  }
0x40: {  	_ =	shalt  }
0x41: {  	_ =	shalt  }
0x42: {  	_ =	shalt  }
0x43: {  	_ =	shalt  }
0x44: {  	_ =	shalt  }
0x45: {  	_ =	shalt  }
0x46: {  	_ =	shalt  }
0x47: {  	_ =	shalt  }
0x48: {  	_ =	shalt  }
0x49: {  	_ =	shalt  }
0x4a: {  	_ =	shalt  }
0x4b: {  	_ =	shalt  }
0x4c: {  	_ =	shalt  }
0x4d: {  	_ =	shalt  }
0x4e: {  	_ =	shalt  }
0x4f: {  	_ =	shalt  }
0x50: {  	_ =	shalt  }
0x51: {  	_ =	shalt  }
0x52: {  	_ =	shalt  }
0x53: {  	_ =	shalt  }
0x54: {  	_ =	shalt  }
0x55: {  	_ =	shalt  }
0x56: {  	_ =	shalt  }
0x57: {  	_ =	shalt  }
0x58: {  	_ =	shalt  }
0x59: {  	_ =	shalt  }
0x5a: {  	_ =	shalt  }
0x5b: {  	_ =	shalt  }
0x5c: {  	_ =	shalt  }
0x5d: {  	_ =	shalt  }
0x5e: {  	_ =	shalt  }
0x5f: {  	_ =	shalt  }
0x60: {  	_ =	shalt  }
0x61: {  	_ =	shalt  }
0x62: {  	_ =	shalt  }
0x63: {  	_ =	shalt  }
0x64: {  	_ =	shalt  }
0x65: {  	_ =	shalt  }
0x66: {  	_ =	shalt  }
0x67: {  	_ =	shalt  }
0x68: {  	_ =	shalt  }
0x69: {  	_ =	shalt  }
0x6a: {  	_ =	shalt  }
0x6b: {  	_ =	shalt  }
0x6c: {  	_ =	shalt  }
0x6d: {  	_ =	shalt  }
0x6e: {  	_ =	shalt  }
0x6f: {  	_ =	shalt  }
0x70: {  	_ =	shalt  }
0x71: {  	_ =	shalt  }
0x72: {  	_ =	shalt  }
0x73: {  	_ =	shalt  }
0x74: {  	_ =	shalt  }
0x75: {  	_ =	shalt  }
0x76: {  	_ =	shalt  }
0x77: {  	_ =	shalt  }
0x78: {  	_ =	shalt  }
0x79: {  	_ =	shalt  }
0x7a: {  	_ =	shalt  }
0x7b: {  	_ =	shalt  }
0x7c: {  	_ =	shalt  }
0x7d: {  	_ =	shalt  }
0x7e: {  	_ =	shalt  }
0x7f: {  	_ =	shalt  }
0x80: {  	_ =	shalt  }
0x81: {  	_ =	shalt  }
0x82: {  	_ =	shalt  }
0x83: {  	_ =	shalt  }
0x84: {  	_ =	shalt  }
0x85: {  	_ =	shalt  }
0x86: {  	_ =	shalt  }
0x87: {  	_ =	shalt  }
.Lfunc_end0:
.L_simem_size_0:
called_computation_lowered:
.L_overlay_start_0:
0x88: {  	s2 =	sld [smem:$0x3FD9]  }
0x89: {  	s3 =	sld [smem:$0x3FFE];
	_ =	sdelay $0x1  }
0x8a: {  	s1 =	srdreg.scid  }
0x8b: {  	s0 =	sand.u32 $0x1, s1  }
0x8c: {  	s18 =	sshll.u32 s0, $0xA;
	s2 =	sadd.s32 s3, s2  }
0x8d: {  	s2 =	sadd.s32 s2, s18  }
0x8e: {  	[smem:$0x3FC6] =	sst s2  }
0x8f: {  	_ = 	snop  }
0x90: {  	s2 =	sld [smem:$0x3FC9]  }
0x91: {  	s19 =	sld [smem:$0x3FC8]  }
0x92: {  	s4 =	sld [smem:$0x3FD0];
	(tm) =	ssettm $0x1  }
0x93: {  	s5 =	sld [smem:$0x3FFB];
	_ =	sdelay $0x3  }
0x94: {  	_ =	strace s5  }
0x95: {  	s5 =	sld [smem:$0x3FFC];
	_ =	sdelay $0x3  }
0x96: {  	_ =	strace s5  }
0x97: {  	s5 =	sld [smem:$0x3FFD];
	_ =	sdelay $0x3  }
0x98: {  	_ =	strace s5  }
0x99: {  	_ =	strace $0x8FFFFFFF  }
0x9a: {  	s20 =	sld [smem:$0x3FDB];
	_ =	sdelay $0x1  }
0x9b: {  	s6 =	simm.s32 $_scs_section_size  }
0x9c: {  	s7 =	simm.s32 $_size__tile_overlayer_lowered;
	s8 =	simm.s32 $_tile_overlayer_lowered  }
0x9d: {  	s23 =	simm.s32 $0x1BFF;
	s22 =	sshll.u32 s8, $0x1;
	s5 =	sadd.s32 s6, s20  }
0x9e: {  	s9 =	simm.s32 $0x0;
	s21 =	sshll.u32 s7, $0x1;
	s7 =	sadd.s32 s22, s5  }
0x9f: {  	[timem:s9], [sflag:s23] =	dma.local [hbm:s7], s21  }
0xa0: {  	_ =	swait.ge [sflag:s23], s21  }
0xa1: {  	s6 =	ssub.s32 $0x0, s21;
	[sflag:s23] =	ssyncset.done $0x0  }
0xa2: {  	[sflag:s23] =	ssyncadd.s32 s6;
	_ =	sdelay $0x1  }
0xa3: {  	s24 =	simm.s32 $0x1B8B  }
0xa4: {  	_ =	swait.ge [sflag:s24], $0x1  }
0xa5: {  	[sflag:s24] =	ssyncset.done $0x0  }
0xa6: {  	s25 =	simm.s32 $0x1B8E;
	[sflag:s24] =	ssyncadd.s32 $0xFFFFFFFF  }
0xa7: {  	s26 =	simm.s32 $execute0_lowered;
	[smem:$0x3FD2] =	sst s25  }
0xa8: {  	s6 =	sshll.u32 s26, $0x1;
	_ =	strace $0x80000046;
	[dreg:$0x1] =	wrdreg $0xFFFFFFFF  }
0xa9: {  	s28 =	simm.s32 $_size_execute0_lowered;
	s5 =	sadd.s32 s5, s6;
	[dreg:$0x0] =	wrdreg $0x0  }
0xaa: {  	s6 =	sshll.u32 s28, $0x1;
	[dreg:$0x2] =	wrdreg s5  }
0xab: {  	[dreg:$0x3] =	wrdreg s6  }
0xac: {  	[dreg:$0x4] =	wrdreg $0xC0  }
0xad: {  	_ =	task [dreg:s9], $0x5FFFF  }
0xae: {  	[dreg:$0x1] =	wrdreg $0xFFFFFFFF  }
0xaf: {  	[dreg:$0x0] =	wrdreg $0x60  }
0xb0: {  	[dreg:$0x2] =	wrdreg s2  }
0xb1: {  	[dreg:$0x3] =	wrdreg s19  }
0xb2: {  	[dreg:$0x4] =	wrdreg s4  }
0xb3: {  	[dreg:$0x5] =	wrdreg $0x9  }
0xb4: {  	_ =	task.clear_ibuf [dreg:s9], $0x6FFFF;
	_ =	strace $0x90000046  }
0xb5: {  	s29 =	simm.s32 $0x9;
	_ =	strace $0x80000048  }
0xb6: {  	_ =	swait.ge [sflag:s29], $0x1  }
0xb7: {  	[sflag:s29] =	ssyncadd.s32 $0xFFFFFFFF  }
0xb8: {  	_ =	strace $0x90000048  }
0xb9: {  	_ =	sfence  }
0xba: {  	s30 =	sld [smem:$0x0];
	_ =	sdelay $0x2  }
0xbb: {  	s31 =	sshll.u32 s1, $0xD;
	s1 =	sshrl.u32 s1, $0x2  }
0xbc: {  	s3 =	sand.u32 $0x4000, s31;
	s1 =	sadd.s32 s1, s30  }
0xbd: {  	s0 =	sor.u32 s3, s0;
	s1 =	sshll.u32 s1, $0x11  }
0xbe: {  	s0 =	sor.u32 s1, s0  }
0xbf: {  	s0 =	sadd.s32 $0x8F2B, s0  }
0xc0: {  	[sflag:s0] =	ssyncadd.remote.s32 $0x1  }
0xc1: {  	_ =	sfence.sel $0xFFFF  }
0xc2: {  	[dreg:$0x0] =	wrdreg $0xFFFFFFFF;
	(pc) =	sbr.abs _section_cstart, $3  }
0xc3: {  	[dreg:$0x1] =	wrdreg $0xFFFFFFFF  }
0xc4: {  	_ =	task.clear_ibuf [dreg:s9], $0x2FFFF;
	_ =	strace $0x9FFFFFFF  }
0xc5: {  	(tm) =	ssettm $0x7FFFFFFF  }
tec
execute0_lowered:
.L_overlay_start_1:
0x0: {  	(tag) =	ssettag $0x1  }
0x1: {  	s0 =	rddreg [dreg:$0x0]  }
0x2: {  	s2 =	rddreg [dreg:$0x1]  }
0x3: {  	s1 =	srdreg.scid;
	s3 =	stileid.u32  }
0x4: {  	s14 =	rddreg [dreg:$0x2];
	s18 =	simm.s32 $0x2B80;
	s19 =	simm.s32 $0x5700  }
0x5: {  	s20 =	simm.s32 $0x8280;
	s21 =	simm.s32 $0x2;
	s28 =	simm.s32 $0x12E00  }
0x6: {  	s29 =	simm.s32 $0x16E00;
	s30 =	simm.s32 $0x3;
	s31 =	simm.s32 $0x0  }
0x7: {  	s1 =	sand.u32 $0x1, s1;
	s4 =	sshll.u32 s3, $0x1;
	s3 =	simm.s32 $0x0  }
0x8: {  	s23 =	sadd.s32 $0x8000, s2;
	s9 =	sadd.s32 $0x200, s2;
	s10 =	sor.u32 s1, s4  }
0x9: {  	[smem:$0x7FF] =	sst s3;
	s1 =	ssub.s32 $0x2, s1;
	s4 =	sshll.u32 s10, $0x2  }
0xa: {  	_ =	strace $0x80000047;
	s5 =	smul.u32 $0x1590, s10;
	s22 =	sshrl.u32 s1, $0x1  }
0xb: {  	s15 =	sshllo.u32 s10, $0x2;
	[dreg:$0x4] =	wrdreg s23;
	s24 =	sshll.u32 s10, $0xD  }
0xc: {  	s10 =	sadd.s32 $0x8200, s2;
	s23 =	simm.s32 $0x1DE00;
	s12 =	sor.u32 $0x1, s4  }
0xd: {  	s13 =	sor.u32 $0x2, s4;
	s1 =	ssub.s32 s1, s22;
	s8 =	smul.u32 $0x564, s15  }
0xe: {  	s11 =	sadd.s32 s14, s24;
	s15 =	sshll.u32 s15, $0xB;
	s6 =	smul.u32 $0x564, s12  }
0xf: {  	s22 =	simm.s32 $0x1CE00;
	s24 =	simm.s32 $0x1;
	s7 =	smul.u32 $0x564, s13  }
0x10: {  	s5 =	sadd.s32 s0, s5;
	s25 =	sshll.u32 s12, $0xB;
	s26 =	sshll.u32 s13, $0xB  }
0x11: {  	s8 =	sadd.s32 s0, s8;
	s12 =	sadd.s32 s14, s25;
	s13 =	sadd.s32 s14, s26  }
0x12: {  	s14 =	sadd.s32 s14, s15;
	s15 =	smax.u32 s1, $0x1;
	s25 =	simm.s32 $0xAE00  }
0x13: {  	v0 =	vimm.f32 $0.0e+00;
	s26 =	simm.s32 $0xEE00;
	s6 =	sadd.s32 s0, s6;
	s7 =	sadd.s32 s0, s7  }
.LBB2_1:
0x14: {  	s0 =	simm.s32 $0x1AE00  }
0x15: {  	[tilespmem:s0], [sflag:$0x1] =	stream.linear.gather [hbm4b:s2+s3], $0x1000, $0x38;
	[tilespmem:$0x1EE00] =	vst v63  }
0x16: {  	s17 =	rddreg [dreg:$0x4];
	s1 =	simm.s32 $0x1BE00  }
0x17: {  	[tilespmem:s1], [sflag:$0x1] =	stream.linear.gather [hbm4b:s17+s3], $0x1000, $0x38;
	[tilespmem:$0x1EE00] =	vst v63  }
0x18: {  	_ = 	snop  }
0x19: {  	[tilespmem:s3], [sflag:$0x2] =	stream.linear.gather [hbm4b:s5+s3], $0x2B20, $0x38;
	[tilespmem:$0x1EE00] =	vst v63  }
0x1a: {  	_ = 	snop  }
0x1b: {  	[tilespmem:s18], [sflag:$0x2] =	stream.linear.gather [hbm4b:s6+s3], $0x2B20, $0x38;
	[tilespmem:$0x1EE00] =	vst v63  }
0x1c: {  	_ = 	snop  }
0x1d: {  	[tilespmem:s19], [sflag:$0x2] =	stream.linear.gather [hbm4b:s7+s3], $0x2B20, $0x38;
	[tilespmem:$0x1EE00] =	vst v63  }
0x1e: {  	s0 =	simm.s32 $0xAE40  }
0x1f: {  	[tilespmem:s20], [sflag:$0x2] =	stream.linear.gather [hbm4b:s8+s3], $0x2B20, $0x38;
	[tilespmem:$0x1EE00] =	vst v63  }
0x20: {  	[tilespmem:s0+$0xFFFFFFC0] =	vst v0  }
0x21: {  	[tilespmem:s0+$0x30] =	vst v0  }
0x22: {  	[tilespmem:s0+$0x20] =	vst v0  }
0x23: {  	[tilespmem:s0+$0x10] =	vst v0  }
0x24: {  	[tilespmem:s0+$0x0] =	vst v0  }
0x25: {  	[tilespmem:s0+$0xFFFFFFF0] =	vst v0  }
0x26: {  	s16 =	simm.s32 $0x0;
	[tilespmem:s0+$0xFFFFFFE0] =	vst v0  }
.LBB2_2:
0x27: {  	s16 =	sadd.s32 $0x80, s16;
	[tilespmem:s0+$0xFFFFFFD0] =	vst v0;
	s0 =	sadd.s32 $0x80, s0;
	s1 =	simm.s32 $0xEE40  }
0x28: {  	[tilespmem:s0+$0xFFFFFFC0] =	vst v0;
	p0 =	slt.u32 s16, $0x3F80  }
0x29: {  	[tilespmem:s0+$0x30] =	vst v0  }
.Ltmp0:
0x2a: {  	[tilespmem:s0+$0x20] =	vst v0;
	(pc) =	sbr.rel @p0 .LBB2_2-.Ltmp0, $4  }
0x2b: {  	[tilespmem:s0+$0x10] =	vst v0  }
0x2c: {  	[tilespmem:s0+$0x0] =	vst v0  }
0x2d: {  	[tilespmem:s0+$0xFFFFFFF0] =	vst v0  }
0x2e: {  	[tilespmem:s0+$0xFFFFFFE0] =	vst v0  }
0x2f: {  	[tilespmem:s0+$0xFFFFFFD0] =	vst v0  }
0x30: {  	[tilespmem:s1+$0xFFFFFFC0] =	vst v0  }
0x31: {  	[tilespmem:s1+$0x30] =	vst v0  }
0x32: {  	[tilespmem:s1+$0x20] =	vst v0  }
0x33: {  	[tilespmem:s1+$0x10] =	vst v0  }
0x34: {  	[tilespmem:s1+$0x0] =	vst v0  }
0x35: {  	[tilespmem:s1+$0xFFFFFFF0] =	vst v0  }
0x36: {  	s16 =	simm.s32 $0x0;
	s0 =	simm.s32 $0x12E40;
	[tilespmem:s1+$0xFFFFFFE0] =	vst v0  }
.LBB2_4:
0x37: {  	s16 =	sadd.s32 $0x80, s16;
	[tilespmem:s1+$0xFFFFFFD0] =	vst v0;
	s1 =	sadd.s32 $0x80, s1  }
0x38: {  	[tilespmem:s1+$0xFFFFFFC0] =	vst v0;
	p0 =	slt.u32 s16, $0x3F80  }
0x39: {  	[tilespmem:s1+$0x30] =	vst v0  }
.Ltmp1:
0x3a: {  	[tilespmem:s1+$0x20] =	vst v0;
	(pc) =	sbr.rel @p0 .LBB2_4-.Ltmp1, $4  }
0x3b: {  	[tilespmem:s1+$0x10] =	vst v0  }
0x3c: {  	[tilespmem:s1+$0x0] =	vst v0  }
0x3d: {  	[tilespmem:s1+$0xFFFFFFF0] =	vst v0  }
0x3e: {  	[tilespmem:s1+$0xFFFFFFE0] =	vst v0  }
0x3f: {  	[tilespmem:s1+$0xFFFFFFD0] =	vst v0  }
0x40: {  	[tilespmem:s0+$0xFFFFFFC0] =	vst v0  }
0x41: {  	[tilespmem:s0+$0x30] =	vst v0  }
0x42: {  	[tilespmem:s0+$0x20] =	vst v0  }
0x43: {  	[tilespmem:s0+$0x10] =	vst v0  }
0x44: {  	[tilespmem:s0+$0x0] =	vst v0  }
0x45: {  	[tilespmem:s0+$0xFFFFFFF0] =	vst v0  }
0x46: {  	s16 =	simm.s32 $0x0;
	[tilespmem:s0+$0xFFFFFFE0] =	vst v0  }
.LBB2_6:
0x47: {  	s16 =	sadd.s32 $0x80, s16;
	[tilespmem:s0+$0xFFFFFFD0] =	vst v0;
	s0 =	sadd.s32 $0x80, s0;
	s1 =	simm.s32 $0x16E40  }
0x48: {  	[tilespmem:s0+$0xFFFFFFC0] =	vst v0;
	p0 =	slt.u32 s16, $0x3F80  }
0x49: {  	[tilespmem:s0+$0x30] =	vst v0  }
.Ltmp2:
0x4a: {  	[tilespmem:s0+$0x20] =	vst v0;
	(pc) =	sbr.rel @p0 .LBB2_6-.Ltmp2, $4  }
0x4b: {  	[tilespmem:s0+$0x10] =	vst v0  }
0x4c: {  	[tilespmem:s0+$0x0] =	vst v0  }
0x4d: {  	[tilespmem:s0+$0xFFFFFFF0] =	vst v0  }
0x4e: {  	[tilespmem:s0+$0xFFFFFFE0] =	vst v0  }
0x4f: {  	[tilespmem:s0+$0xFFFFFFD0] =	vst v0  }
0x50: {  	[tilespmem:s1+$0xFFFFFFC0] =	vst v0  }
0x51: {  	[tilespmem:s1+$0x30] =	vst v0  }
0x52: {  	[tilespmem:s1+$0x20] =	vst v0  }
0x53: {  	[tilespmem:s1+$0x10] =	vst v0  }
0x54: {  	[tilespmem:s1+$0x0] =	vst v0  }
0x55: {  	[tilespmem:s1+$0xFFFFFFF0] =	vst v0  }
0x56: {  	s0 =	simm.s32 $0x0;
	[tilespmem:s1+$0xFFFFFFE0] =	vst v0  }
.LBB2_8:
0x57: {  	s0 =	sadd.s32 $0x80, s0;
	[tilespmem:s1+$0xFFFFFFD0] =	vst v0;
	s1 =	sadd.s32 $0x80, s1  }
0x58: {  	[tilespmem:s1+$0xFFFFFFC0] =	vst v0;
	p0 =	slt.u32 s0, $0x3F80  }
0x59: {  	[tilespmem:s1+$0x30] =	vst v0  }
.Ltmp3:
0x5a: {  	[tilespmem:s1+$0x20] =	vst v0;
	(pc) =	sbr.rel @p0 .LBB2_8-.Ltmp3, $4  }
0x5b: {  	[tilespmem:s1+$0x10] =	vst v0  }
0x5c: {  	[tilespmem:s1+$0x0] =	vst v0  }
0x5d: {  	[tilespmem:s1+$0xFFFFFFF0] =	vst v0  }
0x5e: {  	[tilespmem:s1+$0xFFFFFFE0] =	vst v0  }
0x5f: {  	[tilespmem:s1+$0xFFFFFFD0] =	vst v0  }
0x60: {  	_ =	swait.ge [sflag:s21], $0x2B20  }
0x61: {  	[sflag:s21] =	ssyncset.done $0x0  }
0x62: {  	[sflag:s21] =	ssyncadd.s32 $0xFFFFD4E0  }
0x63: {  	_ =	swait.ge [sflag:s21], $0x2B20  }
0x64: {  	[sflag:s21] =	ssyncset.done $0x0  }
0x65: {  	[sflag:s21] =	ssyncadd.s32 $0xFFFFD4E0  }
0x66: {  	_ =	swait.ge [sflag:s21], $0x2B20  }
0x67: {  	[sflag:s21] =	ssyncset.done $0x0  }
0x68: {  	[sflag:s21] =	ssyncadd.s32 $0xFFFFD4E0  }
0x69: {  	_ =	swait.ge [sflag:s21], $0x2B20  }
0x6a: {  	[sflag:s21] =	ssyncset.done $0x0  }
0x6b: {  	s1 =	simm.s32 $0x0;
	[sflag:s21] =	ssyncadd.s32 $0xFFFFD4E0  }
.LBB2_11:
0x6c: {  	s0 =	sshll.u32 s1, $0xA  }
0x6d: {  	s16 =	sadd.s32 s0, s9  }
0x6e: {  	[tilespmem:s22], [sflag:$0x2] =	stream.linear.gather [hbm4b:s16+s3], $0x1000, $0x38;
	[tilespmem:$0x1EE00] =	vst v63  }
0x6f: {  	s0 =	sadd.s32 s0, s10  }
0x70: {  	[tilespmem:s23], [sflag:$0x2] =	stream.linear.gather [hbm4b:s0+s3], $0x1000, $0x38;
	[tilespmem:$0x1EE00] =	vst v63  }
0x71: {  	_ =	swait.ge [sflag:s24], $0x1000  }
0x72: {  	[sflag:s24] =	ssyncset.done $0x0  }
0x73: {  	[sflag:s24] =	ssyncadd.s32 $0xFFFFF000  }
0x74: {  	_ =	swait.ge [sflag:s24], $0x1000  }
0x75: {  	[sflag:s24] =	ssyncset.done $0x0  }
0x76: {  	s17 =	simm.s32 $0x1AE40;
	[sflag:s24] =	ssyncadd.s32 $0xFFFFF000  }
0x77: {  	v1 =	vld [tilespmem:s17+$0x30]  }
0x78: {  	v2 =	vld [tilespmem:s17+$0xFFFFFFD0]  }
0x79: {  	v3 =	vld [tilespmem:s17+$0xFFFFFFE0]  }
0x7a: {  	v4 =	vld [tilespmem:s17+$0xFFFFFFF0]  }
0x7b: {  	v5 =	vld [tilespmem:s17+$0x0]  }
0x7c: {  	v7 =	vld [tilespmem:s17+$0x10]  }
0x7d: {  	v9 =	vld [tilespmem:s17+$0xFFFFFFC0]  }
0x7e: {  	s0 =	simm.s32 $0x1BE40;
	v11 =	vld [tilespmem:s17+$0x20];
	v6 =	vand.u32 $0x3FFF, v1  }
0x7f: {  	v16 =	vld [tilespmem:s0+$0x30]  }
0x80: {  	v26 =	vld [tilespmem:s0+$0xFFFFFFC0]  }
0x81: {  	v27 =	vld [tilespmem:s0+$0xFFFFFFD0]  }
0x82: {  	v28 =	vld [tilespmem:s0+$0xFFFFFFE0]  }
0x83: {  	v8 =	vand.u32 $0x3FFF, v2;
	v14 =	vld.idx.msk [tilespmem:v6+s3+$0x0], $0xffff  }
0x84: {  	v29 =	vld [tilespmem:s0+$0xFFFFFFF0];
	v10 =	vand.u32 $0x3FFF, v3  }
0x85: {  	v31 =	vld [tilespmem:s0+$0x0];
	v20 =	vshrl.u32 v1, $0xE  }
0x86: {  	v33 =	vld [tilespmem:s0+$0x10]  }
0x87: {  	v12 =	vand.u32 $0x3FFF, v4;
	v35 =	vshrl.u32 v4, $0xE;
	v4 =	vld [tilespmem:s0+$0x20]  }
0x88: {  	v15 =	vand.u32 $0x3FFF, v7;
	v18 =	vld.idx.msk [tilespmem:v8+s3+$0x0], $0xffff;
	v1 =	vmul.f32 v14, v16  }
0x89: {  	v13 =	vand.u32 $0x3FFF, v5;
	v19 =	vld.idx.msk [tilespmem:v10+s3+$0x0], $0xffff  }
0x8a: {  	v22 =	vand.u32 $0x3FFF, v11;
	[tilespmem:v20+s25+$0x0] =	vst.idx.add.f32.msk $0xffff, v1  }
0x8b: {  	v17 =	vand.u32 $0x3FFF, v9;
	v1 =	vld.idx.msk [tilespmem:v6+s18+$0x0], $0xffff  }
0x8c: {  	v34 =	vshrl.u32 v3, $0xE;
	v21 =	vld.idx.msk [tilespmem:v12+s3+$0x0], $0xffff  }
0x8d: {  	v24 =	vld.idx.msk [tilespmem:v15+s3+$0x0], $0xffff  }
0x8e: {  	v23 =	vld.idx.msk [tilespmem:v13+s3+$0x0], $0xffff  }
0x8f: {  	v32 =	vshrl.u32 v2, $0xE;
	v2 =	vshrl.u32 v7, $0xE;
	v25 =	vld.idx.msk [tilespmem:v22+s3+$0x0], $0xffff;
	v7 =	vmul.f32 v19, v28  }
0x90: {  	v14 =	vld.idx.msk [tilespmem:v17+s3+$0x0], $0xffff;
	v1 =	vmul.f32 v1, v16  }
0x91: {  	[tilespmem:v34+s25+$0x0] =	vst.idx.add.f32.msk $0xffff, v7  }
0x92: {  	v30 =	vshrl.u32 v9, $0xE;
	v7 =	vmul.f32 v24, v33;
	[tilespmem:v20+s26+$0x0] =	vst.idx.add.f32.msk $0xffff, v1  }
0x93: {  	v1 =	vshrl.u32 v5, $0xE;
	v9 =	vld.idx.msk [tilespmem:v6+s19+$0x0], $0xffff  }
0x94: {  	[tilespmem:v2+s25+$0x0] =	vst.idx.add.f32.msk $0xffff, v7;
	v5 =	vmul.f32 v18, v27  }
0x95: {  	v3 =	vmul.f32 v14, v26;
	v62 =	vld.idx.msk [tilespmem:v15+s18+$0x0], $0xffff  }
0x96: {  	[tilespmem:v32+s25+$0x0] =	vst.idx.add.f32.msk $0xffff, v5;
	v5 =	vmul.f32 v23, v31  }
0x97: {  	v14 =	vmul.f32 v21, v29;
	[tilespmem:v30+s25+$0x0] =	vst.idx.add.f32.msk $0xffff, v3;
	v3 =	vshrl.u32 v11, $0xE  }
0x98: {  	[tilespmem:v1+s25+$0x0] =	vst.idx.add.f32.msk $0xffff, v5;
	v5 =	vmul.f32 v9, v16  }
0x99: {  	[tilespmem:v35+s25+$0x0] =	vst.idx.add.f32.msk $0xffff, v14  }
0x9a: {  	v7 =	vmul.f32 v25, v4;
	[tilespmem:v20+s28+$0x0] =	vst.idx.add.f32.msk $0xffff, v5  }
0x9b: {  	v5 =	vld.idx.msk [tilespmem:v6+s20+$0x0], $0xffff  }
0x9c: {  	[tilespmem:v3+s25+$0x0] =	vst.idx.add.f32.msk $0xffff, v7  }
0x9d: {  	v6 =	vld.idx.msk [tilespmem:v17+s18+$0x0], $0xffff  }
0x9e: {  	v7 =	vld.idx.msk [tilespmem:v8+s18+$0x0], $0xffff  }
0x9f: {  	v9 =	vld.idx.msk [tilespmem:v10+s18+$0x0], $0xffff  }
0xa0: {  	v11 =	vld.idx.msk [tilespmem:v12+s18+$0x0], $0xffff;
	v5 =	vmul.f32 v5, v16  }
0xa1: {  	v14 =	vld.idx.msk [tilespmem:v13+s18+$0x0], $0xffff  }
0xa2: {  	v6 =	vmul.f32 v6, v26;
	[tilespmem:v20+s29+$0x0] =	vst.idx.add.f32.msk $0xffff, v5  }
0xa3: {  	v5 =	vmul.f32 v7, v27;
	v7 =	vld.idx.msk [tilespmem:v22+s18+$0x0], $0xffff  }
0xa4: {  	[tilespmem:v30+s26+$0x0] =	vst.idx.add.f32.msk $0xffff, v6;
	v6 =	vmul.f32 v9, v28  }
0xa5: {  	[tilespmem:v32+s26+$0x0] =	vst.idx.add.f32.msk $0xffff, v5;
	v5 =	vmul.f32 v11, v29  }
0xa6: {  	[tilespmem:v34+s26+$0x0] =	vst.idx.add.f32.msk $0xffff, v6;
	v6 =	vmul.f32 v14, v31  }
0xa7: {  	[tilespmem:v35+s26+$0x0] =	vst.idx.add.f32.msk $0xffff, v5  }
0xa8: {  	[tilespmem:v1+s26+$0x0] =	vst.idx.add.f32.msk $0xffff, v6  }
0xa9: {  	v5 =	vmul.f32 v62, v33;
	v6 =	vld.idx.msk [tilespmem:v17+s19+$0x0], $0xffff  }
0xaa: {  	v9 =	vld.idx.msk [tilespmem:v12+s19+$0x0], $0xffff  }
0xab: {  	[tilespmem:v2+s26+$0x0] =	vst.idx.add.f32.msk $0xffff, v5;
	v5 =	vmul.f32 v7, v4  }
0xac: {  	v7 =	vld.idx.msk [tilespmem:v10+s19+$0x0], $0xffff  }
0xad: {  	[tilespmem:v3+s26+$0x0] =	vst.idx.add.f32.msk $0xffff, v5  }
0xae: {  	v5 =	vld.idx.msk [tilespmem:v8+s19+$0x0], $0xffff  }
0xaf: {  	v11 =	vld.idx.msk [tilespmem:v13+s19+$0x0], $0xffff  }
0xb0: {  	v14 =	vld.idx.msk [tilespmem:v15+s19+$0x0], $0xffff;
	v6 =	vmul.f32 v6, v26  }
0xb1: {  	v63 =	vld.idx.msk [tilespmem:v22+s19+$0x0], $0xffff  }
0xb2: {  	[tilespmem:v30+s28+$0x0] =	vst.idx.add.f32.msk $0xffff, v6;
	v7 =	vmul.f32 v7, v28  }
0xb3: {  	v6 =	vld.idx.msk [tilespmem:v17+s20+$0x0], $0xffff;
	v5 =	vmul.f32 v5, v27  }
0xb4: {  	[tilespmem:v34+s28+$0x0] =	vst.idx.add.f32.msk $0xffff, v7;
	v7 =	vmul.f32 v11, v31  }
0xb5: {  	[tilespmem:v32+s28+$0x0] =	vst.idx.add.f32.msk $0xffff, v5;
	v5 =	vmul.f32 v9, v29  }
0xb6: {  	[tilespmem:v1+s28+$0x0] =	vst.idx.add.f32.msk $0xffff, v7;
	v7 =	vmul.f32 v63, v4  }
0xb7: {  	[tilespmem:v35+s28+$0x0] =	vst.idx.add.f32.msk $0xffff, v5;
	v5 =	vmul.f32 v14, v33  }
0xb8: {  	[tilespmem:v3+s28+$0x0] =	vst.idx.add.f32.msk $0xffff, v7  }
0xb9: {  	[tilespmem:v2+s28+$0x0] =	vst.idx.add.f32.msk $0xffff, v5  }
0xba: {  	v5 =	vld.idx.msk [tilespmem:v8+s20+$0x0], $0xffff  }
0xbb: {  	v7 =	vld.idx.msk [tilespmem:v10+s20+$0x0], $0xffff  }
0xbc: {  	v8 =	vld.idx.msk [tilespmem:v12+s20+$0x0], $0xffff  }
0xbd: {  	v10 =	vld.idx.msk [tilespmem:v13+s20+$0x0], $0xffff  }
0xbe: {  	v6 =	vmul.f32 v6, v26;
	v11 =	vld.idx.msk [tilespmem:v15+s20+$0x0], $0xffff  }
0xbf: {  	v9 =	vld.idx.msk [tilespmem:v22+s20+$0x0], $0xffff;
	v5 =	vmul.f32 v5, v27  }
0xc0: {  	[tilespmem:v30+s29+$0x0] =	vst.idx.add.f32.msk $0xffff, v6;
	v6 =	vmul.f32 v7, v28  }
0xc1: {  	[tilespmem:v32+s29+$0x0] =	vst.idx.add.f32.msk $0xffff, v5;
	v5 =	vmul.f32 v8, v29  }
0xc2: {  	[tilespmem:v34+s29+$0x0] =	vst.idx.add.f32.msk $0xffff, v6  }
0xc3: {  	s16 =	simm.s32 $0x0;
	s17 =	simm.s32 $0x1AEC0;
	v13 =	vmul.f32 v10, v31;
	v11 =	vmul.f32 v11, v33;
	[tilespmem:v35+s29+$0x0] =	vst.idx.add.f32.msk $0xffff, v5  }
.LBB2_12:
0xc4: {  	v17 =	vld [tilespmem:s17+$0x30];
	s16 =	sadd.s32 $0x80, s16;
	v5 =	vmul.f32 v9, v4  }
0xc5: {  	v4 =	vld [tilespmem:s17+$0xFFFFFFD0];
	p0 =	slt.u32 s16, $0xF80  }
0xc6: {  	v8 =	vld [tilespmem:s17+$0xFFFFFFE0]  }
0xc7: {  	v12 =	vld [tilespmem:s17+$0xFFFFFFF0]  }
0xc8: {  	v14 =	vld [tilespmem:s17+$0x0]  }
0xc9: {  	v15 =	vld [tilespmem:s17+$0x10];
	v22 =	vand.u32 $0x3FFF, v17  }
0xca: {  	v6 =	vshrl.u32 v4, $0xE;
	v9 =	vand.u32 $0x3FFF, v4;
	v4 =	vld [tilespmem:s17+$0x20]  }
0xcb: {  	v18 =	vld [tilespmem:s17+$0xFFFFFFC0];
	v7 =	vshrl.u32 v8, $0xE;
	v10 =	vand.u32 $0x3FFF, v8  }
0xcc: {  	v8 =	vshrl.u32 v12, $0xE;
	v12 =	vand.u32 $0x3FFF, v12;
	[tilespmem:v1+s29+$0x0] =	vst.idx.add.f32.msk $0xffff, v13  }
0xcd: {  	v1 =	vshrl.u32 v14, $0xE;
	v13 =	vand.u32 $0x3FFF, v14;
	[tilespmem:v2+s29+$0x0] =	vst.idx.add.f32.msk $0xffff, v11  }
0xce: {  	s0 =	sadd.s32 $0x80, s0;
	v2 =	vshrl.u32 v15, $0xE;
	v14 =	vand.u32 $0x3FFF, v15;
	v19 =	vld.idx.msk [tilespmem:v22+s3+$0x0], $0xffff  }
0xcf: {  	v11 =	vshrl.u32 v4, $0xE;
	v15 =	vand.u32 $0x3FFF, v4;
	v23 =	vld [tilespmem:s0+$0x30]  }
0xd0: {  	v16 =	vshrl.u32 v18, $0xE;
	v24 =	vand.u32 $0x3FFF, v18;
	v4 =	vld.idx.msk [tilespmem:v9+s3+$0x0], $0xffff  }
0xd1: {  	v26 =	vshrl.u32 v17, $0xE;
	v25 =	vld.idx.msk [tilespmem:v10+s3+$0x0], $0xffff  }
0xd2: {  	v27 =	vld.idx.msk [tilespmem:v12+s3+$0x0], $0xffff  }
0xd3: {  	v28 =	vld.idx.msk [tilespmem:v13+s3+$0x0], $0xffff  }
0xd4: {  	v29 =	vld.idx.msk [tilespmem:v14+s3+$0x0], $0xffff;
	v17 =	vmul.f32 v19, v23  }
0xd5: {  	v19 =	vld.idx.msk [tilespmem:v24+s3+$0x0], $0xffff  }
0xd6: {  	[tilespmem:v26+s25+$0x0] =	vst.idx.add.f32.msk $0xffff, v17  }
0xd7: {  	v30 =	vld.idx.msk [tilespmem:v22+s18+$0x0], $0xffff  }
0xd8: {  	v31 =	vld.idx.msk [tilespmem:v15+s3+$0x0], $0xffff  }
0xd9: {  	v32 =	vld [tilespmem:s0+$0xFFFFFFC0]  }
0xda: {  	v20 =	vld [tilespmem:s0+$0xFFFFFFD0]  }
0xdb: {  	v21 =	vld [tilespmem:s0+$0xFFFFFFE0]  }
0xdc: {  	v18 =	vld [tilespmem:s0+$0xFFFFFFF0]  }
0xdd: {  	v30 =	vmul.f32 v30, v23;
	v17 =	vld [tilespmem:s0+$0x0]  }
0xde: {  	v33 =	vmul.f32 v19, v32;
	v19 =	vld [tilespmem:s0+$0x10]  }
0xdf: {  	v34 =	vmul.f32 v4, v20;
	[tilespmem:v26+s26+$0x0] =	vst.idx.add.f32.msk $0xffff, v30  }
0xe0: {  	v25 =	vmul.f32 v25, v21;
	v30 =	vld.idx.msk [tilespmem:v22+s19+$0x0], $0xffff  }
0xe1: {  	v27 =	vmul.f32 v27, v18;
	v4 =	vld [tilespmem:s0+$0x20]  }
0xe2: {  	[tilespmem:v16+s25+$0x0] =	vst.idx.add.f32.msk $0xffff, v33;
	v28 =	vmul.f32 v28, v17  }
0xe3: {  	[tilespmem:v6+s25+$0x0] =	vst.idx.add.f32.msk $0xffff, v34;
	v29 =	vmul.f32 v29, v19  }
0xe4: {  	[tilespmem:v7+s25+$0x0] =	vst.idx.add.f32.msk $0xffff, v25  }
0xe5: {  	[tilespmem:v8+s25+$0x0] =	vst.idx.add.f32.msk $0xffff, v27  }
0xe6: {  	v27 =	vmul.f32 v30, v23;
	[tilespmem:v1+s25+$0x0] =	vst.idx.add.f32.msk $0xffff, v28;
	v25 =	vmul.f32 v31, v4  }
0xe7: {  	[tilespmem:v2+s25+$0x0] =	vst.idx.add.f32.msk $0xffff, v29  }
0xe8: {  	[tilespmem:v26+s28+$0x0] =	vst.idx.add.f32.msk $0xffff, v27  }
0xe9: {  	v22 =	vld.idx.msk [tilespmem:v22+s20+$0x0], $0xffff  }
0xea: {  	[tilespmem:v11+s25+$0x0] =	vst.idx.add.f32.msk $0xffff, v25  }
0xeb: {  	v25 =	vld.idx.msk [tilespmem:v24+s18+$0x0], $0xffff  }
0xec: {  	v27 =	vld.idx.msk [tilespmem:v9+s18+$0x0], $0xffff  }
0xed: {  	v28 =	vld.idx.msk [tilespmem:v10+s18+$0x0], $0xffff  }
0xee: {  	v29 =	vld.idx.msk [tilespmem:v12+s18+$0x0], $0xffff  }
0xef: {  	v22 =	vmul.f32 v22, v23;
	v30 =	vld.idx.msk [tilespmem:v13+s18+$0x0], $0xffff  }
0xf0: {  	v23 =	vld.idx.msk [tilespmem:v14+s18+$0x0], $0xffff  }
0xf1: {  	v25 =	vmul.f32 v25, v32;
	[tilespmem:v26+s29+$0x0] =	vst.idx.add.f32.msk $0xffff, v22  }
0xf2: {  	v22 =	vmul.f32 v27, v20;
	v26 =	vld.idx.msk [tilespmem:v15+s18+$0x0], $0xffff  }
0xf3: {  	[tilespmem:v16+s26+$0x0] =	vst.idx.add.f32.msk $0xffff, v25;
	v25 =	vmul.f32 v28, v21  }
0xf4: {  	[tilespmem:v6+s26+$0x0] =	vst.idx.add.f32.msk $0xffff, v22;
	v22 =	vmul.f32 v29, v18  }
0xf5: {  	[tilespmem:v7+s26+$0x0] =	vst.idx.add.f32.msk $0xffff, v25;
	v25 =	vmul.f32 v30, v17  }
0xf6: {  	[tilespmem:v8+s26+$0x0] =	vst.idx.add.f32.msk $0xffff, v22;
	v22 =	vmul.f32 v23, v19  }
0xf7: {  	[tilespmem:v1+s26+$0x0] =	vst.idx.add.f32.msk $0xffff, v25  }
0xf8: {  	[tilespmem:v2+s26+$0x0] =	vst.idx.add.f32.msk $0xffff, v22;
	v22 =	vmul.f32 v26, v4  }
0xf9: {  	v23 =	vld.idx.msk [tilespmem:v24+s19+$0x0], $0xffff  }
0xfa: {  	[tilespmem:v11+s26+$0x0] =	vst.idx.add.f32.msk $0xffff, v22  }
0xfb: {  	v22 =	vld.idx.msk [tilespmem:v9+s19+$0x0], $0xffff  }
0xfc: {  	v25 =	vld.idx.msk [tilespmem:v10+s19+$0x0], $0xffff  }
0xfd: {  	v26 =	vld.idx.msk [tilespmem:v12+s19+$0x0], $0xffff  }
0xfe: {  	v27 =	vld.idx.msk [tilespmem:v13+s19+$0x0], $0xffff  }
0xff: {  	v23 =	vmul.f32 v23, v32;
	v28 =	vld.idx.msk [tilespmem:v14+s19+$0x0], $0xffff  }
0x100: {  	v29 =	vld.idx.msk [tilespmem:v15+s19+$0x0], $0xffff  }
0x101: {  	v22 =	vmul.f32 v22, v20;
	[tilespmem:v16+s28+$0x0] =	vst.idx.add.f32.msk $0xffff, v23  }
0x102: {  	v23 =	vld.idx.msk [tilespmem:v24+s20+$0x0], $0xffff;
	v24 =	vmul.f32 v25, v21  }
0x103: {  	[tilespmem:v6+s28+$0x0] =	vst.idx.add.f32.msk $0xffff, v22;
	v22 =	vmul.f32 v26, v18  }
0x104: {  	[tilespmem:v7+s28+$0x0] =	vst.idx.add.f32.msk $0xffff, v24;
	v24 =	vmul.f32 v27, v17  }
0x105: {  	[tilespmem:v8+s28+$0x0] =	vst.idx.add.f32.msk $0xffff, v22;
	v22 =	vmul.f32 v28, v19  }
0x106: {  	[tilespmem:v1+s28+$0x0] =	vst.idx.add.f32.msk $0xffff, v24;
	v24 =	vmul.f32 v29, v4  }
0x107: {  	[tilespmem:v2+s28+$0x0] =	vst.idx.add.f32.msk $0xffff, v22  }
0x108: {  	v22 =	vmul.f32 v23, v32;
	[tilespmem:v11+s28+$0x0] =	vst.idx.add.f32.msk $0xffff, v24  }
0x109: {  	v23 =	vld.idx.msk [tilespmem:v9+s20+$0x0], $0xffff  }
0x10a: {  	v10 =	vld.idx.msk [tilespmem:v10+s20+$0x0], $0xffff  }
0x10b: {  	v12 =	vld.idx.msk [tilespmem:v12+s20+$0x0], $0xffff  }
0x10c: {  	v13 =	vld.idx.msk [tilespmem:v13+s20+$0x0], $0xffff  }
0x10d: {  	v14 =	vld.idx.msk [tilespmem:v14+s20+$0x0], $0xffff  }
0x10e: {  	v9 =	vld.idx.msk [tilespmem:v15+s20+$0x0], $0xffff  }
.Ltmp4:
0x10f: {  	v15 =	vmul.f32 v23, v20;
	[tilespmem:v16+s29+$0x0] =	vst.idx.add.f32.msk $0xffff, v22;
	(pc) =	sbr.rel @p0 .LBB2_12-.Ltmp4, $4  }
0x110: {  	v10 =	vmul.f32 v10, v21;
	[tilespmem:v3+s29+$0x0] =	vst.idx.add.f32.msk $0xffff, v5;
	v3 =	vmov v11  }
0x111: {  	v5 =	vmul.f32 v12, v18;
	[tilespmem:v6+s29+$0x0] =	vst.idx.add.f32.msk $0xffff, v15  }
0x112: {  	v13 =	vmul.f32 v13, v17;
	[tilespmem:v7+s29+$0x0] =	vst.idx.add.f32.msk $0xffff, v10  }
0x113: {  	s17 =	sadd.s32 $0x80, s17;
	v11 =	vmul.f32 v14, v19;
	[tilespmem:v8+s29+$0x0] =	vst.idx.add.f32.msk $0xffff, v5  }
0x114: {  	_ =	sdelay $0x1  }
0x115: {  	p0 =	seq.s32 s1, $0x1F  }
0x116: {  	s0 =	sshll.u32 @!p0 s1, $0xA  }
0x117: {  	v4 =	vmul.f32 v9, v4;
	[tilespmem:v1+s29+$0x0] =	vst.idx.add.f32.msk $0xffff, v13;
	s0 =	sand.u32 @!p0 $0x1FFFFC00, s0  }
0x118: {  	[tilespmem:v2+s29+$0x0] =	vst.idx.add.f32.msk $0xffff, v11;
	s0 =	sadd.s32 @!p0 s2, s0  }
0x119: {  	s17 =	simm.s32 @!p0 $0x0;
	s4 =	simm.s32 @!p0 $0x1AE00;
	[tilespmem:v3+s29+$0x0] =	vst.idx.add.f32.msk $0xffff, v4;
	s16 =	sadd.s32 @!p0 $0x400, s0  }
0x11a: {  	[tilespmem:s4], [sflag:$0x1] =	stream.linear.gather @!p0 [hbm4b:s16+s17], $0x1000, $0x38;
	[tilespmem:$0x1EE00] =	vst v63  }
0x11b: {  	s0 =	sadd.s32 @!p0 $0x8400, s0;
	s4 =	simm.s32 @!p0 $0x1BE00  }
0x11c: {  	[tilespmem:s4], [sflag:$0x1] =	stream.linear.gather @!p0 [hbm4b:s0+s17], $0x1000, $0x38;
	[tilespmem:$0x1EE00] =	vst v63  }
0x11d: {  	_ =	swait.ge [sflag:s21], $0x1000  }
0x11e: {  	[sflag:s21] =	ssyncset.done $0x0  }
0x11f: {  	[sflag:s21] =	ssyncadd.s32 $0xFFFFF000  }
0x120: {  	_ =	swait.ge [sflag:s21], $0x1000  }
0x121: {  	[sflag:s21] =	ssyncset.done $0x0  }
0x122: {  	s17 =	simm.s32 $0x1CE40;
	[sflag:s21] =	ssyncadd.s32 $0xFFFFF000  }
0x123: {  	v1 =	vld [tilespmem:s17+$0x30]  }
0x124: {  	v2 =	vld [tilespmem:s17+$0xFFFFFFD0]  }
0x125: {  	v3 =	vld [tilespmem:s17+$0xFFFFFFE0]  }
0x126: {  	v4 =	vld [tilespmem:s17+$0xFFFFFFF0]  }
0x127: {  	v5 =	vld [tilespmem:s17+$0x0]  }
0x128: {  	v7 =	vld [tilespmem:s17+$0x10]  }
0x129: {  	v9 =	vld [tilespmem:s17+$0xFFFFFFC0]  }
0x12a: {  	s0 =	simm.s32 $0x1DE40;
	v11 =	vld [tilespmem:s17+$0x20];
	v6 =	vand.u32 $0x3FFF, v1  }
0x12b: {  	v16 =	vld [tilespmem:s0+$0x30]  }
0x12c: {  	v26 =	vld [tilespmem:s0+$0xFFFFFFC0]  }
0x12d: {  	v27 =	vld [tilespmem:s0+$0xFFFFFFD0]  }
0x12e: {  	v28 =	vld [tilespmem:s0+$0xFFFFFFE0]  }
0x12f: {  	v8 =	vand.u32 $0x3FFF, v2;
	v14 =	vld.idx.msk [tilespmem:v6+s3+$0x0], $0xffff  }
0x130: {  	v29 =	vld [tilespmem:s0+$0xFFFFFFF0];
	v10 =	vand.u32 $0x3FFF, v3  }
0x131: {  	v31 =	vld [tilespmem:s0+$0x0];
	v20 =	vshrl.u32 v1, $0xE  }
0x132: {  	v33 =	vld [tilespmem:s0+$0x10]  }
0x133: {  	v12 =	vand.u32 $0x3FFF, v4;
	v35 =	vshrl.u32 v4, $0xE;
	v4 =	vld [tilespmem:s0+$0x20]  }
0x134: {  	v15 =	vand.u32 $0x3FFF, v7;
	v18 =	vld.idx.msk [tilespmem:v8+s3+$0x0], $0xffff;
	v1 =	vmul.f32 v14, v16  }
0x135: {  	v13 =	vand.u32 $0x3FFF, v5;
	v19 =	vld.idx.msk [tilespmem:v10+s3+$0x0], $0xffff  }
0x136: {  	v22 =	vand.u32 $0x3FFF, v11;
	[tilespmem:v20+s25+$0x0] =	vst.idx.add.f32.msk $0xffff, v1  }
0x137: {  	v17 =	vand.u32 $0x3FFF, v9;
	v1 =	vld.idx.msk [tilespmem:v6+s18+$0x0], $0xffff  }
0x138: {  	v34 =	vshrl.u32 v3, $0xE;
	v21 =	vld.idx.msk [tilespmem:v12+s3+$0x0], $0xffff  }
0x139: {  	v24 =	vld.idx.msk [tilespmem:v15+s3+$0x0], $0xffff  }
0x13a: {  	v23 =	vld.idx.msk [tilespmem:v13+s3+$0x0], $0xffff  }
0x13b: {  	v32 =	vshrl.u32 v2, $0xE;
	v2 =	vshrl.u32 v7, $0xE;
	v25 =	vld.idx.msk [tilespmem:v22+s3+$0x0], $0xffff;
	v7 =	vmul.f32 v19, v28  }
0x13c: {  	v14 =	vld.idx.msk [tilespmem:v17+s3+$0x0], $0xffff;
	v1 =	vmul.f32 v1, v16  }
0x13d: {  	[tilespmem:v34+s25+$0x0] =	vst.idx.add.f32.msk $0xffff, v7  }
0x13e: {  	v30 =	vshrl.u32 v9, $0xE;
	v7 =	vmul.f32 v24, v33;
	[tilespmem:v20+s26+$0x0] =	vst.idx.add.f32.msk $0xffff, v1  }
0x13f: {  	v1 =	vshrl.u32 v5, $0xE;
	v9 =	vld.idx.msk [tilespmem:v6+s19+$0x0], $0xffff  }
0x140: {  	[tilespmem:v2+s25+$0x0] =	vst.idx.add.f32.msk $0xffff, v7;
	v5 =	vmul.f32 v18, v27  }
0x141: {  	v3 =	vmul.f32 v14, v26;
	v62 =	vld.idx.msk [tilespmem:v15+s18+$0x0], $0xffff  }
0x142: {  	[tilespmem:v32+s25+$0x0] =	vst.idx.add.f32.msk $0xffff, v5;
	v5 =	vmul.f32 v23, v31  }
0x143: {  	v14 =	vmul.f32 v21, v29;
	[tilespmem:v30+s25+$0x0] =	vst.idx.add.f32.msk $0xffff, v3;
	v3 =	vshrl.u32 v11, $0xE  }
0x144: {  	[tilespmem:v1+s25+$0x0] =	vst.idx.add.f32.msk $0xffff, v5;
	v5 =	vmul.f32 v9, v16  }
0x145: {  	[tilespmem:v35+s25+$0x0] =	vst.idx.add.f32.msk $0xffff, v14  }
0x146: {  	v7 =	vmul.f32 v25, v4;
	[tilespmem:v20+s28+$0x0] =	vst.idx.add.f32.msk $0xffff, v5  }
0x147: {  	v5 =	vld.idx.msk [tilespmem:v6+s20+$0x0], $0xffff  }
0x148: {  	[tilespmem:v3+s25+$0x0] =	vst.idx.add.f32.msk $0xffff, v7  }
0x149: {  	v6 =	vld.idx.msk [tilespmem:v17+s18+$0x0], $0xffff  }
0x14a: {  	v7 =	vld.idx.msk [tilespmem:v8+s18+$0x0], $0xffff  }
0x14b: {  	v9 =	vld.idx.msk [tilespmem:v10+s18+$0x0], $0xffff  }
0x14c: {  	v11 =	vld.idx.msk [tilespmem:v12+s18+$0x0], $0xffff;
	v5 =	vmul.f32 v5, v16  }
0x14d: {  	v14 =	vld.idx.msk [tilespmem:v13+s18+$0x0], $0xffff  }
0x14e: {  	v6 =	vmul.f32 v6, v26;
	[tilespmem:v20+s29+$0x0] =	vst.idx.add.f32.msk $0xffff, v5  }
0x14f: {  	v5 =	vmul.f32 v7, v27;
	v7 =	vld.idx.msk [tilespmem:v22+s18+$0x0], $0xffff  }
0x150: {  	[tilespmem:v30+s26+$0x0] =	vst.idx.add.f32.msk $0xffff, v6;
	v6 =	vmul.f32 v9, v28  }
0x151: {  	[tilespmem:v32+s26+$0x0] =	vst.idx.add.f32.msk $0xffff, v5;
	v5 =	vmul.f32 v11, v29  }
0x152: {  	[tilespmem:v34+s26+$0x0] =	vst.idx.add.f32.msk $0xffff, v6;
	v6 =	vmul.f32 v14, v31  }
0x153: {  	[tilespmem:v35+s26+$0x0] =	vst.idx.add.f32.msk $0xffff, v5  }
0x154: {  	[tilespmem:v1+s26+$0x0] =	vst.idx.add.f32.msk $0xffff, v6  }
0x155: {  	v5 =	vmul.f32 v62, v33;
	v6 =	vld.idx.msk [tilespmem:v17+s19+$0x0], $0xffff  }
0x156: {  	v9 =	vld.idx.msk [tilespmem:v12+s19+$0x0], $0xffff  }
0x157: {  	[tilespmem:v2+s26+$0x0] =	vst.idx.add.f32.msk $0xffff, v5;
	v5 =	vmul.f32 v7, v4  }
0x158: {  	v7 =	vld.idx.msk [tilespmem:v10+s19+$0x0], $0xffff  }
0x159: {  	[tilespmem:v3+s26+$0x0] =	vst.idx.add.f32.msk $0xffff, v5  }
0x15a: {  	v5 =	vld.idx.msk [tilespmem:v8+s19+$0x0], $0xffff  }
0x15b: {  	v11 =	vld.idx.msk [tilespmem:v13+s19+$0x0], $0xffff  }
0x15c: {  	v14 =	vld.idx.msk [tilespmem:v15+s19+$0x0], $0xffff;
	v6 =	vmul.f32 v6, v26  }
0x15d: {  	v63 =	vld.idx.msk [tilespmem:v22+s19+$0x0], $0xffff  }
0x15e: {  	[tilespmem:v30+s28+$0x0] =	vst.idx.add.f32.msk $0xffff, v6;
	v7 =	vmul.f32 v7, v28  }
0x15f: {  	v6 =	vld.idx.msk [tilespmem:v17+s20+$0x0], $0xffff;
	v5 =	vmul.f32 v5, v27  }
0x160: {  	[tilespmem:v34+s28+$0x0] =	vst.idx.add.f32.msk $0xffff, v7;
	v7 =	vmul.f32 v11, v31  }
0x161: {  	[tilespmem:v32+s28+$0x0] =	vst.idx.add.f32.msk $0xffff, v5;
	v5 =	vmul.f32 v9, v29  }
0x162: {  	[tilespmem:v1+s28+$0x0] =	vst.idx.add.f32.msk $0xffff, v7;
	v7 =	vmul.f32 v63, v4  }
0x163: {  	[tilespmem:v35+s28+$0x0] =	vst.idx.add.f32.msk $0xffff, v5;
	v5 =	vmul.f32 v14, v33  }
0x164: {  	[tilespmem:v3+s28+$0x0] =	vst.idx.add.f32.msk $0xffff, v7  }
0x165: {  	[tilespmem:v2+s28+$0x0] =	vst.idx.add.f32.msk $0xffff, v5  }
0x166: {  	v5 =	vld.idx.msk [tilespmem:v8+s20+$0x0], $0xffff  }
0x167: {  	v7 =	vld.idx.msk [tilespmem:v10+s20+$0x0], $0xffff  }
0x168: {  	v8 =	vld.idx.msk [tilespmem:v12+s20+$0x0], $0xffff  }
0x169: {  	v10 =	vld.idx.msk [tilespmem:v13+s20+$0x0], $0xffff  }
0x16a: {  	v6 =	vmul.f32 v6, v26;
	v12 =	vld.idx.msk [tilespmem:v15+s20+$0x0], $0xffff  }
0x16b: {  	v9 =	vld.idx.msk [tilespmem:v22+s20+$0x0], $0xffff;
	v5 =	vmul.f32 v5, v27  }
0x16c: {  	[tilespmem:v30+s29+$0x0] =	vst.idx.add.f32.msk $0xffff, v6;
	v6 =	vmul.f32 v7, v28  }
0x16d: {  	[tilespmem:v32+s29+$0x0] =	vst.idx.add.f32.msk $0xffff, v5;
	v5 =	vmul.f32 v8, v29  }
0x16e: {  	[tilespmem:v34+s29+$0x0] =	vst.idx.add.f32.msk $0xffff, v6  }
0x16f: {  	s1 =	sadd.s32 $0x1, s1;
	s16 =	simm.s32 $0x0;
	s17 =	simm.s32 $0x1CEC0;
	v11 =	vmul.f32 v10, v31;
	v14 =	vmul.f32 v12, v33;
	[tilespmem:v35+s29+$0x0] =	vst.idx.add.f32.msk $0xffff, v5  }
.LBB2_14:
0x170: {  	v17 =	vld [tilespmem:s17+$0x30];
	s16 =	sadd.s32 $0x80, s16;
	v5 =	vmul.f32 v9, v4  }
0x171: {  	v4 =	vld [tilespmem:s17+$0xFFFFFFD0];
	p0 =	slt.u32 s16, $0xF80  }
0x172: {  	v8 =	vld [tilespmem:s17+$0xFFFFFFE0]  }
0x173: {  	v12 =	vld [tilespmem:s17+$0xFFFFFFF0]  }
0x174: {  	v13 =	vld [tilespmem:s17+$0x0]  }
0x175: {  	v15 =	vld [tilespmem:s17+$0x10];
	v22 =	vand.u32 $0x3FFF, v17  }
0x176: {  	v6 =	vshrl.u32 v4, $0xE;
	v9 =	vand.u32 $0x3FFF, v4;
	v4 =	vld [tilespmem:s17+$0x20]  }
0x177: {  	v18 =	vld [tilespmem:s17+$0xFFFFFFC0];
	v7 =	vshrl.u32 v8, $0xE;
	v10 =	vand.u32 $0x3FFF, v8  }
0x178: {  	v8 =	vshrl.u32 v12, $0xE;
	v12 =	vand.u32 $0x3FFF, v12;
	[tilespmem:v1+s29+$0x0] =	vst.idx.add.f32.msk $0xffff, v11  }
0x179: {  	v1 =	vshrl.u32 v13, $0xE;
	v13 =	vand.u32 $0x3FFF, v13;
	[tilespmem:v2+s29+$0x0] =	vst.idx.add.f32.msk $0xffff, v14  }
0x17a: {  	s0 =	sadd.s32 $0x80, s0;
	v2 =	vshrl.u32 v15, $0xE;
	v14 =	vand.u32 $0x3FFF, v15;
	v19 =	vld.idx.msk [tilespmem:v22+s3+$0x0], $0xffff  }
0x17b: {  	v11 =	vshrl.u32 v4, $0xE;
	v15 =	vand.u32 $0x3FFF, v4;
	v23 =	vld [tilespmem:s0+$0x30]  }
0x17c: {  	v16 =	vshrl.u32 v18, $0xE;
	v24 =	vand.u32 $0x3FFF, v18;
	v4 =	vld.idx.msk [tilespmem:v9+s3+$0x0], $0xffff  }
0x17d: {  	v26 =	vshrl.u32 v17, $0xE;
	v25 =	vld.idx.msk [tilespmem:v10+s3+$0x0], $0xffff  }
0x17e: {  	v27 =	vld.idx.msk [tilespmem:v12+s3+$0x0], $0xffff  }
0x17f: {  	v28 =	vld.idx.msk [tilespmem:v13+s3+$0x0], $0xffff  }
0x180: {  	v29 =	vld.idx.msk [tilespmem:v14+s3+$0x0], $0xffff;
	v17 =	vmul.f32 v19, v23  }
0x181: {  	v19 =	vld.idx.msk [tilespmem:v24+s3+$0x0], $0xffff  }
0x182: {  	[tilespmem:v26+s25+$0x0] =	vst.idx.add.f32.msk $0xffff, v17  }
0x183: {  	v30 =	vld.idx.msk [tilespmem:v22+s18+$0x0], $0xffff  }
0x184: {  	v31 =	vld.idx.msk [tilespmem:v15+s3+$0x0], $0xffff  }
0x185: {  	v32 =	vld [tilespmem:s0+$0xFFFFFFC0]  }
0x186: {  	v20 =	vld [tilespmem:s0+$0xFFFFFFD0]  }
0x187: {  	v21 =	vld [tilespmem:s0+$0xFFFFFFE0]  }
0x188: {  	v18 =	vld [tilespmem:s0+$0xFFFFFFF0]  }
0x189: {  	v30 =	vmul.f32 v30, v23;
	v17 =	vld [tilespmem:s0+$0x0]  }
0x18a: {  	v33 =	vmul.f32 v19, v32;
	v19 =	vld [tilespmem:s0+$0x10]  }
0x18b: {  	v34 =	vmul.f32 v4, v20;
	[tilespmem:v26+s26+$0x0] =	vst.idx.add.f32.msk $0xffff, v30  }
0x18c: {  	v25 =	vmul.f32 v25, v21;
	v30 =	vld.idx.msk [tilespmem:v22+s19+$0x0], $0xffff  }
0x18d: {  	v27 =	vmul.f32 v27, v18;
	v4 =	vld [tilespmem:s0+$0x20]  }
0x18e: {  	[tilespmem:v16+s25+$0x0] =	vst.idx.add.f32.msk $0xffff, v33;
	v28 =	vmul.f32 v28, v17  }
0x18f: {  	[tilespmem:v6+s25+$0x0] =	vst.idx.add.f32.msk $0xffff, v34;
	v29 =	vmul.f32 v29, v19  }
0x190: {  	[tilespmem:v7+s25+$0x0] =	vst.idx.add.f32.msk $0xffff, v25  }
0x191: {  	[tilespmem:v8+s25+$0x0] =	vst.idx.add.f32.msk $0xffff, v27  }
0x192: {  	v27 =	vmul.f32 v30, v23;
	[tilespmem:v1+s25+$0x0] =	vst.idx.add.f32.msk $0xffff, v28;
	v25 =	vmul.f32 v31, v4  }
0x193: {  	[tilespmem:v2+s25+$0x0] =	vst.idx.add.f32.msk $0xffff, v29  }
0x194: {  	[tilespmem:v26+s28+$0x0] =	vst.idx.add.f32.msk $0xffff, v27  }
0x195: {  	v22 =	vld.idx.msk [tilespmem:v22+s20+$0x0], $0xffff  }
0x196: {  	[tilespmem:v11+s25+$0x0] =	vst.idx.add.f32.msk $0xffff, v25  }
0x197: {  	v25 =	vld.idx.msk [tilespmem:v24+s18+$0x0], $0xffff  }
0x198: {  	v27 =	vld.idx.msk [tilespmem:v9+s18+$0x0], $0xffff  }
0x199: {  	v28 =	vld.idx.msk [tilespmem:v10+s18+$0x0], $0xffff  }
0x19a: {  	v29 =	vld.idx.msk [tilespmem:v12+s18+$0x0], $0xffff  }
0x19b: {  	v22 =	vmul.f32 v22, v23;
	v30 =	vld.idx.msk [tilespmem:v13+s18+$0x0], $0xffff  }
0x19c: {  	v23 =	vld.idx.msk [tilespmem:v14+s18+$0x0], $0xffff  }
0x19d: {  	v25 =	vmul.f32 v25, v32;
	[tilespmem:v26+s29+$0x0] =	vst.idx.add.f32.msk $0xffff, v22  }
0x19e: {  	v22 =	vmul.f32 v27, v20;
	v26 =	vld.idx.msk [tilespmem:v15+s18+$0x0], $0xffff  }
0x19f: {  	[tilespmem:v16+s26+$0x0] =	vst.idx.add.f32.msk $0xffff, v25;
	v25 =	vmul.f32 v28, v21  }
0x1a0: {  	[tilespmem:v6+s26+$0x0] =	vst.idx.add.f32.msk $0xffff, v22;
	v22 =	vmul.f32 v29, v18  }
0x1a1: {  	[tilespmem:v7+s26+$0x0] =	vst.idx.add.f32.msk $0xffff, v25;
	v25 =	vmul.f32 v30, v17  }
0x1a2: {  	[tilespmem:v8+s26+$0x0] =	vst.idx.add.f32.msk $0xffff, v22;
	v22 =	vmul.f32 v23, v19  }
0x1a3: {  	[tilespmem:v1+s26+$0x0] =	vst.idx.add.f32.msk $0xffff, v25  }
0x1a4: {  	[tilespmem:v2+s26+$0x0] =	vst.idx.add.f32.msk $0xffff, v22;
	v22 =	vmul.f32 v26, v4  }
0x1a5: {  	v23 =	vld.idx.msk [tilespmem:v24+s19+$0x0], $0xffff  }
0x1a6: {  	[tilespmem:v11+s26+$0x0] =	vst.idx.add.f32.msk $0xffff, v22  }
0x1a7: {  	v22 =	vld.idx.msk [tilespmem:v9+s19+$0x0], $0xffff  }
0x1a8: {  	v25 =	vld.idx.msk [tilespmem:v10+s19+$0x0], $0xffff  }
0x1a9: {  	v26 =	vld.idx.msk [tilespmem:v12+s19+$0x0], $0xffff  }
0x1aa: {  	v27 =	vld.idx.msk [tilespmem:v13+s19+$0x0], $0xffff  }
0x1ab: {  	v23 =	vmul.f32 v23, v32;
	v28 =	vld.idx.msk [tilespmem:v14+s19+$0x0], $0xffff  }
0x1ac: {  	v29 =	vld.idx.msk [tilespmem:v15+s19+$0x0], $0xffff  }
0x1ad: {  	v22 =	vmul.f32 v22, v20;
	[tilespmem:v16+s28+$0x0] =	vst.idx.add.f32.msk $0xffff, v23  }
0x1ae: {  	v23 =	vld.idx.msk [tilespmem:v24+s20+$0x0], $0xffff;
	v24 =	vmul.f32 v25, v21  }
0x1af: {  	[tilespmem:v6+s28+$0x0] =	vst.idx.add.f32.msk $0xffff, v22;
	v22 =	vmul.f32 v26, v18  }
0x1b0: {  	[tilespmem:v7+s28+$0x0] =	vst.idx.add.f32.msk $0xffff, v24;
	v24 =	vmul.f32 v27, v17  }
0x1b1: {  	[tilespmem:v8+s28+$0x0] =	vst.idx.add.f32.msk $0xffff, v22;
	v22 =	vmul.f32 v28, v19  }
0x1b2: {  	[tilespmem:v1+s28+$0x0] =	vst.idx.add.f32.msk $0xffff, v24;
	v24 =	vmul.f32 v29, v4  }
0x1b3: {  	[tilespmem:v2+s28+$0x0] =	vst.idx.add.f32.msk $0xffff, v22  }
0x1b4: {  	v22 =	vmul.f32 v23, v32;
	[tilespmem:v11+s28+$0x0] =	vst.idx.add.f32.msk $0xffff, v24  }
0x1b5: {  	v23 =	vld.idx.msk [tilespmem:v9+s20+$0x0], $0xffff  }
0x1b6: {  	v10 =	vld.idx.msk [tilespmem:v10+s20+$0x0], $0xffff  }
0x1b7: {  	v12 =	vld.idx.msk [tilespmem:v12+s20+$0x0], $0xffff  }
0x1b8: {  	v13 =	vld.idx.msk [tilespmem:v13+s20+$0x0], $0xffff  }
0x1b9: {  	v14 =	vld.idx.msk [tilespmem:v14+s20+$0x0], $0xffff  }
0x1ba: {  	v9 =	vld.idx.msk [tilespmem:v15+s20+$0x0], $0xffff  }
.Ltmp5:
0x1bb: {  	v15 =	vmul.f32 v23, v20;
	[tilespmem:v16+s29+$0x0] =	vst.idx.add.f32.msk $0xffff, v22;
	(pc) =	sbr.rel @p0 .LBB2_14-.Ltmp5, $4  }
0x1bc: {  	v10 =	vmul.f32 v10, v21;
	[tilespmem:v3+s29+$0x0] =	vst.idx.add.f32.msk $0xffff, v5;
	v3 =	vmov v11  }
0x1bd: {  	v5 =	vmul.f32 v12, v18;
	[tilespmem:v6+s29+$0x0] =	vst.idx.add.f32.msk $0xffff, v15  }
0x1be: {  	v11 =	vmul.f32 v13, v17;
	[tilespmem:v7+s29+$0x0] =	vst.idx.add.f32.msk $0xffff, v10  }
0x1bf: {  	s17 =	sadd.s32 $0x80, s17;
	v14 =	vmul.f32 v14, v19;
	[tilespmem:v8+s29+$0x0] =	vst.idx.add.f32.msk $0xffff, v5  }
0x1c0: {  	_ =	sdelay $0x3  }
0x1c1: {  	v4 =	vmul.f32 v9, v4;
	[tilespmem:v1+s29+$0x0] =	vst.idx.add.f32.msk $0xffff, v11  }
0x1c2: {  	[tilespmem:v2+s29+$0x0] =	vst.idx.add.f32.msk $0xffff, v14  }
0x1c3: {  	[tilespmem:v3+s29+$0x0] =	vst.idx.add.f32.msk $0xffff, v4  }
0x1c4: {  	p0 =	seq.s32 s1, $0x20  }
.Ltmp6:
0x1c5: {  	_ = 	snop;
	(pc) =	sbr.rel @!p0 .LBB2_11-.Ltmp6, $1  }
0x1c6: {  	_ =	sdelay $0x3  }
0x1c7: {  	[hbm4b:s11+s3] =	stream.linear.scatter [tilespmem:s25], [sflag:$0x3], $0x4000, $0x38;
	[tilespmem:$0x1EE00] =	vst v63  }
0x1c8: {  	_ =	swait.ge [sflag:s30], $0x4000  }
0x1c9: {  	[sflag:s30] =	ssyncset.done $0x0  }
0x1ca: {  	[sflag:s30] =	ssyncadd.s32 $0xFFFFC000  }
0x1cb: {  	[hbm4b:s12+s3] =	stream.linear.scatter [tilespmem:s26], [sflag:$0x3], $0x4000, $0x38;
	[tilespmem:$0x1EE00] =	vst v63  }
0x1cc: {  	_ =	swait.ge [sflag:s30], $0x4000  }
0x1cd: {  	[sflag:s30] =	ssyncset.done $0x0  }
0x1ce: {  	[sflag:s30] =	ssyncadd.s32 $0xFFFFC000  }
0x1cf: {  	[hbm4b:s13+s3] =	stream.linear.scatter [tilespmem:s28], [sflag:$0x3], $0x4000, $0x38;
	[tilespmem:$0x1EE00] =	vst v63  }
0x1d0: {  	s31 =	sadd.s32 $0x1, s31;
	_ =	swait.ge [sflag:s30], $0x4000  }
0x1d1: {  	p0 =	sne.s32 s31, s15;
	[sflag:s30] =	ssyncset.done $0x0  }
.Ltmp7:
0x1d2: {  	[sflag:s30] =	ssyncadd.s32 $0xFFFFC000;
	(pc) =	sbr.rel @p0 .LBB2_1-.Ltmp7, $4  }
0x1d3: {  	[hbm4b:s14+s3] =	stream.linear.scatter [tilespmem:s29], [sflag:$0x3], $0x4000, $0x38;
	[tilespmem:$0x1EE00] =	vst v63  }
0x1d4: {  	_ =	swait.ge [sflag:s30], $0x4000  }
0x1d5: {  	[sflag:s30] =	ssyncset.done $0x0  }
0x1d6: {  	[sflag:s30] =	ssyncadd.s32 $0xFFFFC000  }
0x1d7: {  	_ =	sfence.sel $0x180000  }
0x1d8: {  	[bflag:$0x0] =	sbarrier.arrive $0xFFFF  }
0x1d9: {  	_ =	strace $0x90000047  }
0x1da: {  	s0 =	stileid.u32;
	[bflag:$0x2] =	sbarrier.arrive $0xFFFF  }
0x1db: {  	p0 =	sne.s32 s0, $0x0;
	s0 =	rddreg [dreg:$0x3]  }
0x1dc: {  	s0 =	sadd.s32 @!p0 $0x100000, s0  }
0x1dd: {  	[sflag:s0] =	ssyncadd.tile.s32 @!p0 $0x1;
	_ =	shalt  }
.Lfunc_end2:
_tile_overlayer_lowered:
.L_overlay_start_2:
0x1de: {  	(tag) =	ssettag $0x2  }
0x1df: {  	s0 =	rddreg [dreg:$0x0];
	s2 =	stileid.u32  }
0x1e0: {  	s1 =	rddreg [dreg:$0x1];
	p0 =	sne.s32 s2, $0x0  }
0x1e1: {  	s3 =	rddreg [dreg:$0x2];
	[bflag:$0x3] =	sbarrier.arrive $0xFFFF;
	s2 =	simm.s32 @!p0 $0x1C03  }
0x1e2: {  	[timem:s3], [sflag:s2] =	dma.local @!p0 [hbm:s0], s1  }
0x1e3: {  	s0 =	simm.s32 @!p0 $0x3  }
0x1e4: {  	_ =	swait.ge @!p0 [sflag:s0], s1  }
0x1e5: {  	s1 =	ssub.s32 @!p0 $0x0, s1;
	[sflag:s0] =	ssyncset.done @!p0 $0x0  }
0x1e6: {  	[sflag:s0] =	ssyncadd.s32 @!p0 s1  }
0x1e7: {  	[bflag:$0x3] =	sbarrier.arrive $0xFFFF  }
0x1e8: {  	_ =	shalt  }

</sc_bundles>
